<compile_context>
chip_gen: v7x
topology: tpu7x:2x2x1
jax: 0.10.2.dev20260603
libtpu: 0.0.44.dev20260713+nightly
codegen_flags: <defaults>
</compile_context>

<pallas_src>
import functools

import jax
import jax.numpy as jnp
from jax import lax
from jax.experimental import pallas as pl
from jax.experimental.pallas import tpu as pltpu
from jax.experimental.pallas import tpu_sc as plsc

_NBUF = 8


def _round_up(x: int, m: int) -> int:
    return (x + m - 1) // m * m


@functools.lru_cache(maxsize=None)
def _make_gather(batch: int, hist: int, vocab: int, d_model: int):
    info = plsc.get_sparse_core_info()
    nc, ns = info.num_cores, info.num_subcores
    nw = nc * ns
    assert batch % (2 * nw) == 0
    b_per_w = batch // nw
    hpad = _round_up(hist, 4)
    hp = _round_up(hist, 8)
    dp = _round_up(d_model, 128)
    chunk = 2 * hpad
    n_chunks = b_per_w // 2
    assert chunk <= 128

    mesh = plsc.VectorSubcoreMesh(core_axis_name="c", subcore_axis_name="s")

    @functools.partial(
        pl.kernel,
        mesh=mesh,
        out_type=jax.ShapeDtypeStruct((batch, hp, dp), jnp.float32),
        compiler_params=pltpu.CompilerParams(use_tc_tiling_on_sc=False),
        scratch_types=(
            [pltpu.VMEM((n_chunks, chunk), jnp.int32)]
            + [pltpu.VMEM((chunk, d_model), jnp.float32)] * _NBUF
            + [pltpu.SemaphoreType.DMA] * _NBUF
        ),
    )
    def emb(idx_hbm, table_hbm, out_hbm, idx_v, *bufsems):
        wid = lax.axis_index("s") * nc + lax.axis_index("c")
        b_base = wid * b_per_w
        bufs = bufsems[:_NBUF]
        sems = bufsems[_NBUF:]
        nbuf = _NBUF

        pltpu.sync_copy(idx_hbm.at[pl.ds(wid * n_chunks, n_chunks)], idx_v)

        def gather(k, buf, sem):
            pltpu.async_copy(table_hbm.at[idx_v.at[k]], buf, sem)

        def write(k, buf):
            b = b_base + 2 * k
            pltpu.sync_copy(buf.at[pl.ds(0, hist)],
                            out_hbm.at[b, pl.ds(0, hist), pl.ds(0, d_model)])
            pltpu.sync_copy(buf.at[pl.ds(hpad, hist)],
                            out_hbm.at[b + 1, pl.ds(0, hist), pl.ds(0, d_model)])

        for i in range(nbuf):
            gather(i, bufs[i], sems[i])

        def body(g, _):
            k0 = nbuf * g
            for i in range(nbuf):
                k = k0 + i
                pltpu.make_async_copy(
                    table_hbm.at[idx_v.at[k]], bufs[i], sems[i]).wait()
                write(k, bufs[i])

                @pl.when(k + nbuf < n_chunks)
                def _():
                    gather(k + nbuf, bufs[i], sems[i])

            return 0

        lax.fori_loop(0, n_chunks // nbuf, body, 0)

    return emb


def kernel(token_ids, embeddings):
    batch, hist = token_ids.shape
    vocab, d_model = embeddings.shape
    idx = token_ids.astype(jnp.int32)
    hpad = _round_up(hist, 4)
    w = hpad - hist
    if w:
        fill = (jnp.arange(batch, dtype=jnp.int32)[:, None] * w
                + jnp.arange(w, dtype=jnp.int32)[None, :]) % vocab
        idx = jnp.concatenate([idx, fill], axis=1)
    idxp = idx.reshape(batch // 2, 2 * hpad)
    outp = _make_gather(batch, hist, vocab, d_model)(idxp, embeddings)
    return outp[:, :hist, :d_model]

# --- scband reference (transcript-rebuilt; emitter-appended) ---
"""Pipeline reference for scband-embedding-38104949850229 (READ-ONLY COPY).

The authoritative reference and input builder live on the scoring server;
editing this copy changes nothing except your own understanding.
"""

import jax, jax.numpy as jnp
import numpy as np

VOCAB = 1000000
D_MODEL = 64
BATCH = 16384
HIST = 50

def setup_inputs(seed: int = 0) -> dict:
    key = jax.random.key(seed)
    k_idx, k_w = jax.random.split(key)
    token_ids = jax.random.randint(k_idx, (BATCH, HIST), 0, VOCAB, dtype=jnp.int64)
    std = 2.0 / (VOCAB + D_MODEL) ** 0.5
    # trunc_normal approximation: clip normal to [-3*std, 3*std]
    w = jax.random.normal(k_w, (VOCAB, D_MODEL), dtype=jnp.float32) * std
    embeddings = jnp.clip(w, -3.0 * std, 3.0 * std)
    return {"token_ids": token_ids, "embeddings": embeddings}

def reference(token_ids, embeddings):
    # Faithful translation of: return self.embeddings[token_ids]
    return jnp.take(embeddings, token_ids, axis=0)

if __name__ == "__main__":
    import jax
    _d = setup_inputs()
    print(jax.jit(kernel)(*tuple(_d.values())))

</pallas_src>

<mosaic_0001>
#map = affine_map<(d0, d1) -> (0, 0)>
#map1 = affine_map<(d0, d1) -> (0, 0, 0)>
module attributes {stable_mosaic.version = 14 : i64} {
  func.func @emb(%arg0: i32, %arg1: i32, %arg2: memref<8192x104xi32, #tpu.memory_space<hbm>>, %arg3: memref<1000000x64xf32, #tpu.memory_space<hbm>>, %arg4: memref<16384x56x128xf32, #tpu.memory_space<hbm>>, %arg5: memref<256x104xi32, #tpu.memory_space<vmem>>, %arg6: memref<104x64xf32, #tpu.memory_space<vmem>>, %arg7: memref<104x64xf32, #tpu.memory_space<vmem>>, %arg8: memref<104x64xf32, #tpu.memory_space<vmem>>, %arg9: memref<104x64xf32, #tpu.memory_space<vmem>>, %arg10: memref<104x64xf32, #tpu.memory_space<vmem>>, %arg11: memref<104x64xf32, #tpu.memory_space<vmem>>, %arg12: memref<104x64xf32, #tpu.memory_space<vmem>>, %arg13: memref<104x64xf32, #tpu.memory_space<vmem>>, %arg14: memref<!tpu.dma_semaphore, #tpu.memory_space<semaphore_mem>>, %arg15: memref<!tpu.dma_semaphore, #tpu.memory_space<semaphore_mem>>, %arg16: memref<!tpu.dma_semaphore, #tpu.memory_space<semaphore_mem>>, %arg17: memref<!tpu.dma_semaphore, #tpu.memory_space<semaphore_mem>>, %arg18: memref<!tpu.dma_semaphore, #tpu.memory_space<semaphore_mem>>, %arg19: memref<!tpu.dma_semaphore, #tpu.memory_space<semaphore_mem>>, %arg20: memref<!tpu.dma_semaphore, #tpu.memory_space<semaphore_mem>>, %arg21: memref<!tpu.dma_semaphore, #tpu.memory_space<semaphore_mem>>) attributes {dimension_semantics = [#tpu.dimension_semantics<core_parallel>, #tpu.dimension_semantics<subcore_parallel>], iteration_bounds = array<i64: 2, 16>, scalar_prefetch = 0 : i64, scratch_operands = 17 : i64, tpu.core_type = #tpu.core_type<sc_vector_subcore>, window_params = [{transform_indices = #map}, {transform_indices = #map}, {transform_indices = #map1}]} {
    %mul3A = arith.constant 2 : i32
    %mul3A_0 = arith.muli %arg1, %mul3A : i32
    %add3A = arith.addi %mul3A_0, %arg0 : i32
    %mul3A_1 = arith.constant 512 : i32
    %mul3A_2 = arith.muli %add3A, %mul3A_1 : i32
    %mul3A_3 = arith.constant 256 : i32
    %mul3A_4 = arith.muli %add3A, %mul3A_3 : i32
    "tpu.region"() ({
      %run_scoped3A = tpu.sem_alloc : memref<!tpu.dma_semaphore, #tpu.memory_space<semaphore_mem>>
      %dma_start3A_66 = arith.constant 0 : i32
      %dma_start3A_67 = tpu.memref_slice %arg2[%mul3A_4, %dma_start3A_66] : memref<8192x104xi32, #tpu.memory_space<hbm>> -> memref<256x104xi32, #tpu.memory_space<hbm>>
      %dma_start3A_68 = arith.constant 0 : i32
      %dma_start3A_69 = tpu.memref_slice %arg2[%mul3A_4, %dma_start3A_68] : memref<8192x104xi32, #tpu.memory_space<hbm>> -> memref<256x104xi32, #tpu.memory_space<hbm>>
      tpu.enqueue_dma source(%dma_start3A_69 : memref<256x104xi32, #tpu.memory_space<hbm>>) target(%arg5 : memref<256x104xi32, #tpu.memory_space<vmem>>) target_semaphore(%run_scoped3A : memref<!tpu.dma_semaphore, #tpu.memory_space<semaphore_mem>>)
      %dma_wait3A = arith.constant 0 : i32
      %dma_wait3A_70 = tpu.memref_slice %arg2[%mul3A_4, %dma_wait3A] : memref<8192x104xi32, #tpu.memory_space<hbm>> -> memref<256x104xi32, #tpu.memory_space<hbm>>
      %dma_wait3A_71 = arith.constant 0 : i32
      %dma_wait3A_72 = tpu.memref_slice %arg2[%mul3A_4, %dma_wait3A_71] : memref<8192x104xi32, #tpu.memory_space<hbm>> -> memref<256x104xi32, #tpu.memory_space<hbm>>
      tpu.wait_dma2 semaphore(%run_scoped3A : memref<!tpu.dma_semaphore, #tpu.memory_space<semaphore_mem>>) src(%dma_wait3A_72 : memref<256x104xi32, #tpu.memory_space<hbm>>) dst(%arg5 : memref<256x104xi32, #tpu.memory_space<vmem>>)
      tpu.yield
    }) : () -> ()
    %dma_start3A = arith.constant 0 : i32
    %dma_start3A_5 = arith.constant 0 : i32
    %dma_start3A_6 = tpu.memref_slice %arg5[%dma_start3A, %dma_start3A_5] : memref<256x104xi32, #tpu.memory_space<vmem>> -> memref<1x104xi32, #tpu.memory_space<vmem>>
    %dma_start3A_7 = tpu.memref_squeeze %dma_start3A_6 : memref<1x104xi32, #tpu.memory_space<vmem>> -> memref<104xi32, #tpu.memory_space<vmem>>
    %dma_start3A_8 = arith.constant 0 : i32
    %dma_start3A_9 = arith.constant 0 : i32
    %dma_start3A_10 = tpu.memref_slice %arg3[%dma_start3A_8, %dma_start3A_9] : memref<1000000x64xf32, #tpu.memory_space<hbm>> -> memref<1000000x64xf32, #tpu.memory_space<hbm>>
    tpu.enqueue_indirect_dma source(%dma_start3A_10 : memref<1000000x64xf32, #tpu.memory_space<hbm>>) target(%arg6 : memref<104x64xf32, #tpu.memory_space<vmem>>) offsets(%dma_start3A_7 : memref<104xi32, #tpu.memory_space<vmem>>) semaphore(%arg14 : memref<!tpu.dma_semaphore, #tpu.memory_space<semaphore_mem>>)
    %dma_start3A_11 = arith.constant 1 : i32
    %dma_start3A_12 = arith.constant 0 : i32
    %dma_start3A_13 = tpu.memref_slice %arg5[%dma_start3A_11, %dma_start3A_12] : memref<256x104xi32, #tpu.memory_space<vmem>> -> memref<1x104xi32, #tpu.memory_space<vmem>>
    %dma_start3A_14 = tpu.memref_squeeze %dma_start3A_13 : memref<1x104xi32, #tpu.memory_space<vmem>> -> memref<104xi32, #tpu.memory_space<vmem>>
    %dma_start3A_15 = arith.constant 0 : i32
    %dma_start3A_16 = arith.constant 0 : i32
    %dma_start3A_17 = tpu.memref_slice %arg3[%dma_start3A_15, %dma_start3A_16] : memref<1000000x64xf32, #tpu.memory_space<hbm>> -> memref<1000000x64xf32, #tpu.memory_space<hbm>>
    tpu.enqueue_indirect_dma source(%dma_start3A_17 : memref<1000000x64xf32, #tpu.memory_space<hbm>>) target(%arg7 : memref<104x64xf32, #tpu.memory_space<vmem>>) offsets(%dma_start3A_14 : memref<104xi32, #tpu.memory_space<vmem>>) semaphore(%arg15 : memref<!tpu.dma_semaphore, #tpu.memory_space<semaphore_mem>>)
    %dma_start3A_18 = arith.constant 2 : i32
    %dma_start3A_19 = arith.constant 0 : i32
    %dma_start3A_20 = tpu.memref_slice %arg5[%dma_start3A_18, %dma_start3A_19] : memref<256x104xi32, #tpu.memory_space<vmem>> -> memref<1x104xi32, #tpu.memory_space<vmem>>
    %dma_start3A_21 = tpu.memref_squeeze %dma_start3A_20 : memref<1x104xi32, #tpu.memory_space<vmem>> -> memref<104xi32, #tpu.memory_space<vmem>>
    %dma_start3A_22 = arith.constant 0 : i32
    %dma_start3A_23 = arith.constant 0 : i32
    %dma_start3A_24 = tpu.memref_slice %arg3[%dma_start3A_22, %dma_start3A_23] : memref<1000000x64xf32, #tpu.memory_space<hbm>> -> memref<1000000x64xf32, #tpu.memory_space<hbm>>
    tpu.enqueue_indirect_dma source(%dma_start3A_24 : memref<1000000x64xf32, #tpu.memory_space<hbm>>) target(%arg8 : memref<104x64xf32, #tpu.memory_space<vmem>>) offsets(%dma_start3A_21 : memref<104xi32, #tpu.memory_space<vmem>>) semaphore(%arg16 : memref<!tpu.dma_semaphore, #tpu.memory_space<semaphore_mem>>)
    %dma_start3A_25 = arith.constant 3 : i32
    %dma_start3A_26 = arith.constant 0 : i32
    %dma_start3A_27 = tpu.memref_slice %arg5[%dma_start3A_25, %dma_start3A_26] : memref<256x104xi32, #tpu.memory_space<vmem>> -> memref<1x104xi32, #tpu.memory_space<vmem>>
    %dma_start3A_28 = tpu.memref_squeeze %dma_start3A_27 : memref<1x104xi32, #tpu.memory_space<vmem>> -> memref<104xi32, #tpu.memory_space<vmem>>
    %dma_start3A_29 = arith.constant 0 : i32
    %dma_start3A_30 = arith.constant 0 : i32
    %dma_start3A_31 = tpu.memref_slice %arg3[%dma_start3A_29, %dma_start3A_30] : memref<1000000x64xf32, #tpu.memory_space<hbm>> -> memref<1000000x64xf32, #tpu.memory_space<hbm>>
    tpu.enqueue_indirect_dma source(%dma_start3A_31 : memref<1000000x64xf32, #tpu.memory_space<hbm>>) target(%arg9 : memref<104x64xf32, #tpu.memory_space<vmem>>) offsets(%dma_start3A_28 : memref<104xi32, #tpu.memory_space<vmem>>) semaphore(%arg17 : memref<!tpu.dma_semaphore, #tpu.memory_space<semaphore_mem>>)
    %dma_start3A_32 = arith.constant 4 : i32
    %dma_start3A_33 = arith.constant 0 : i32
    %dma_start3A_34 = tpu.memref_slice %arg5[%dma_start3A_32, %dma_start3A_33] : memref<256x104xi32, #tpu.memory_space<vmem>> -> memref<1x104xi32, #tpu.memory_space<vmem>>
    %dma_start3A_35 = tpu.memref_squeeze %dma_start3A_34 : memref<1x104xi32, #tpu.memory_space<vmem>> -> memref<104xi32, #tpu.memory_space<vmem>>
    %dma_start3A_36 = arith.constant 0 : i32
    %dma_start3A_37 = arith.constant 0 : i32
    %dma_start3A_38 = tpu.memref_slice %arg3[%dma_start3A_36, %dma_start3A_37] : memref<1000000x64xf32, #tpu.memory_space<hbm>> -> memref<1000000x64xf32, #tpu.memory_space<hbm>>
    tpu.enqueue_indirect_dma source(%dma_start3A_38 : memref<1000000x64xf32, #tpu.memory_space<hbm>>) target(%arg10 : memref<104x64xf32, #tpu.memory_space<vmem>>) offsets(%dma_start3A_35 : memref<104xi32, #tpu.memory_space<vmem>>) semaphore(%arg18 : memref<!tpu.dma_semaphore, #tpu.memory_space<semaphore_mem>>)
    %dma_start3A_39 = arith.constant 5 : i32
    %dma_start3A_40 = arith.constant 0 : i32
    %dma_start3A_41 = tpu.memref_slice %arg5[%dma_start3A_39, %dma_start3A_40] : memref<256x104xi32, #tpu.memory_space<vmem>> -> memref<1x104xi32, #tpu.memory_space<vmem>>
    %dma_start3A_42 = tpu.memref_squeeze %dma_start3A_41 : memref<1x104xi32, #tpu.memory_space<vmem>> -> memref<104xi32, #tpu.memory_space<vmem>>
    %dma_start3A_43 = arith.constant 0 : i32
    %dma_start3A_44 = arith.constant 0 : i32
    %dma_start3A_45 = tpu.memref_slice %arg3[%dma_start3A_43, %dma_start3A_44] : memref<1000000x64xf32, #tpu.memory_space<hbm>> -> memref<1000000x64xf32, #tpu.memory_space<hbm>>
    tpu.enqueue_indirect_dma source(%dma_start3A_45 : memref<1000000x64xf32, #tpu.memory_space<hbm>>) target(%arg11 : memref<104x64xf32, #tpu.memory_space<vmem>>) offsets(%dma_start3A_42 : memref<104xi32, #tpu.memory_space<vmem>>) semaphore(%arg19 : memref<!tpu.dma_semaphore, #tpu.memory_space<semaphore_mem>>)
    %dma_start3A_46 = arith.constant 6 : i32
    %dma_start3A_47 = arith.constant 0 : i32
    %dma_start3A_48 = tpu.memref_slice %arg5[%dma_start3A_46, %dma_start3A_47] : memref<256x104xi32, #tpu.memory_space<vmem>> -> memref<1x104xi32, #tpu.memory_space<vmem>>
    %dma_start3A_49 = tpu.memref_squeeze %dma_start3A_48 : memref<1x104xi32, #tpu.memory_space<vmem>> -> memref<104xi32, #tpu.memory_space<vmem>>
    %dma_start3A_50 = arith.constant 0 : i32
    %dma_start3A_51 = arith.constant 0 : i32
    %dma_start3A_52 = tpu.memref_slice %arg3[%dma_start3A_50, %dma_start3A_51] : memref<1000000x64xf32, #tpu.memory_space<hbm>> -> memref<1000000x64xf32, #tpu.memory_space<hbm>>
    tpu.enqueue_indirect_dma source(%dma_start3A_52 : memref<1000000x64xf32, #tpu.memory_space<hbm>>) target(%arg12 : memref<104x64xf32, #tpu.memory_space<vmem>>) offsets(%dma_start3A_49 : memref<104xi32, #tpu.memory_space<vmem>>) semaphore(%arg20 : memref<!tpu.dma_semaphore, #tpu.memory_space<semaphore_mem>>)
    %dma_start3A_53 = arith.constant 7 : i32
    %dma_start3A_54 = arith.constant 0 : i32
    %dma_start3A_55 = tpu.memref_slice %arg5[%dma_start3A_53, %dma_start3A_54] : memref<256x104xi32, #tpu.memory_space<vmem>> -> memref<1x104xi32, #tpu.memory_space<vmem>>
    %dma_start3A_56 = tpu.memref_squeeze %dma_start3A_55 : memref<1x104xi32, #tpu.memory_space<vmem>> -> memref<104xi32, #tpu.memory_space<vmem>>
    %dma_start3A_57 = arith.constant 0 : i32
    %dma_start3A_58 = arith.constant 0 : i32
    %dma_start3A_59 = tpu.memref_slice %arg3[%dma_start3A_57, %dma_start3A_58] : memref<1000000x64xf32, #tpu.memory_space<hbm>> -> memref<1000000x64xf32, #tpu.memory_space<hbm>>
    tpu.enqueue_indirect_dma source(%dma_start3A_59 : memref<1000000x64xf32, #tpu.memory_space<hbm>>) target(%arg13 : memref<104x64xf32, #tpu.memory_space<vmem>>) offsets(%dma_start3A_56 : memref<104xi32, #tpu.memory_space<vmem>>) semaphore(%arg21 : memref<!tpu.dma_semaphore, #tpu.memory_space<semaphore_mem>>)
    %scan3A = arith.constant 0 : i32
    %scan3A_60 = arith.constant 0 : i32
    %scan3A_61 = arith.constant 32 : i32
    %scan3A_62 = arith.addi %scan3A_60, %scan3A_61 : i32
    %scan3A_63 = arith.constant 1 : i32
    %scan3A_64 = scf.for %scan3A_66 = %scan3A_60 to %scan3A_62 step %scan3A_63 iter_args(%scan3A_67 = %scan3A) -> (i32)  : i32 {
      %mul3A_68 = arith.constant 8 : i32
      %mul3A_69 = arith.muli %mul3A_68, %scan3A_66 : i32
      %add3A_70 = arith.constant 0 : i32
      %add3A_71 = arith.addi %mul3A_69, %add3A_70 : i32
      %dma_wait3A = arith.constant 0 : i32
      %dma_wait3A_72 = tpu.memref_slice %arg5[%add3A_71, %dma_wait3A] : memref<256x104xi32, #tpu.memory_space<vmem>> -> memref<1x104xi32, #tpu.memory_space<vmem>>
      %dma_wait3A_73 = tpu.memref_squeeze %dma_wait3A_72 : memref<1x104xi32, #tpu.memory_space<vmem>> -> memref<104xi32, #tpu.memory_space<vmem>>
      %dma_wait3A_74 = arith.constant 0 : i32
      %dma_wait3A_75 = arith.constant 0 : i32
      %dma_wait3A_76 = tpu.memref_slice %arg3[%dma_wait3A_74, %dma_wait3A_75] : memref<1000000x64xf32, #tpu.memory_space<hbm>> -> memref<1000000x64xf32, #tpu.memory_space<hbm>>
      tpu.wait_indirect_dma semaphore(%arg14 : memref<!tpu.dma_semaphore, #tpu.memory_space<semaphore_mem>>) src(%dma_wait3A_76 : memref<1000000x64xf32, #tpu.memory_space<hbm>>) dst(%arg6 : memref<104x64xf32, #tpu.memory_space<vmem>>)
      %mul3A_77 = arith.constant 2 : i32
      %mul3A_78 = arith.muli %mul3A_77, %add3A_71 : i32
      %add3A_79 = arith.addi %mul3A_2, %mul3A_78 : i32
      "tpu.region"() ({
        %run_scoped3A = tpu.sem_alloc : memref<!tpu.dma_semaphore, #tpu.memory_space<semaphore_mem>>
        %dma_start3A_227 = arith.constant 0 : i32
        %dma_start3A_228 = arith.constant 0 : i32
        %dma_start3A_229 = tpu.memref_slice %arg6[%dma_start3A_227, %dma_start3A_228] : memref<104x64xf32, #tpu.memory_space<vmem>> -> memref<50x64xf32, #tpu.memory_space<vmem>>
        %dma_start3A_230 = arith.constant 0 : i32
        %dma_start3A_231 = arith.constant 0 : i32
        %dma_start3A_232 = tpu.memref_slice %arg4[%add3A_79, %dma_start3A_230, %dma_start3A_231] : memref<16384x56x128xf32, #tpu.memory_space<hbm>> -> memref<1x50x64xf32, #tpu.memory_space<hbm>>
        %dma_start3A_233 = tpu.memref_squeeze %dma_start3A_232 : memref<1x50x64xf32, #tpu.memory_space<hbm>> -> memref<50x64xf32, #tpu.memory_space<hbm>>
        %dma_start3A_234 = arith.constant 0 : i32
        %dma_start3A_235 = arith.constant 0 : i32
        %dma_start3A_236 = tpu.memref_slice %arg4[%add3A_79, %dma_start3A_234, %dma_start3A_235] : memref<16384x56x128xf32, #tpu.memory_space<hbm>> -> memref<1x50x64xf32, #tpu.memory_space<hbm>>
        %dma_start3A_237 = tpu.memref_squeeze %dma_start3A_236 : memref<1x50x64xf32, #tpu.memory_space<hbm>> -> memref<50x64xf32, #tpu.memory_space<hbm>>
        %dma_start3A_238 = arith.constant 0 : i32
        %dma_start3A_239 = arith.constant 0 : i32
        %dma_start3A_240 = tpu.memref_slice %arg6[%dma_start3A_238, %dma_start3A_239] : memref<104x64xf32, #tpu.memory_space<vmem>> -> memref<50x64xf32, #tpu.memory_space<vmem>>
        tpu.enqueue_dma source(%dma_start3A_240 : memref<50x64xf32, #tpu.memory_space<vmem>>) target(%dma_start3A_237 : memref<50x64xf32, #tpu.memory_space<hbm>>) target_semaphore(%run_scoped3A : memref<!tpu.dma_semaphore, #tpu.memory_space<semaphore_mem>>)
        %dma_wait3A_241 = arith.constant 0 : i32
        %dma_wait3A_242 = arith.constant 0 : i32
        %dma_wait3A_243 = tpu.memref_slice %arg6[%dma_wait3A_241, %dma_wait3A_242] : memref<104x64xf32, #tpu.memory_space<vmem>> -> memref<50x64xf32, #tpu.memory_space<vmem>>
        %dma_wait3A_244 = arith.constant 0 : i32
        %dma_wait3A_245 = arith.constant 0 : i32
        %dma_wait3A_246 = tpu.memref_slice %arg4[%add3A_79, %dma_wait3A_244, %dma_wait3A_245] : memref<16384x56x128xf32, #tpu.memory_space<hbm>> -> memref<1x50x64xf32, #tpu.memory_space<hbm>>
        %dma_wait3A_247 = tpu.memref_squeeze %dma_wait3A_246 : memref<1x50x64xf32, #tpu.memory_space<hbm>> -> memref<50x64xf32, #tpu.memory_space<hbm>>
        %dma_wait3A_248 = arith.constant 0 : i32
        %dma_wait3A_249 = arith.constant 0 : i32
        %dma_wait3A_250 = tpu.memref_slice %arg4[%add3A_79, %dma_wait3A_248, %dma_wait3A_249] : memref<16384x56x128xf32, #tpu.memory_space<hbm>> -> memref<1x50x64xf32, #tpu.memory_space<hbm>>
        %dma_wait3A_251 = tpu.memref_squeeze %dma_wait3A_250 : memref<1x50x64xf32, #tpu.memory_space<hbm>> -> memref<50x64xf32, #tpu.memory_space<hbm>>
        %dma_wait3A_252 = arith.constant 0 : i32
        %dma_wait3A_253 = arith.constant 0 : i32
        %dma_wait3A_254 = tpu.memref_slice %arg6[%dma_wait3A_252, %dma_wait3A_253] : memref<104x64xf32, #tpu.memory_space<vmem>> -> memref<50x64xf32, #tpu.memory_space<vmem>>
        tpu.wait_dma2 semaphore(%run_scoped3A : memref<!tpu.dma_semaphore, #tpu.memory_space<semaphore_mem>>) src(%dma_wait3A_254 : memref<50x64xf32, #tpu.memory_space<vmem>>) dst(%dma_wait3A_251 : memref<50x64xf32, #tpu.memory_space<hbm>>)
        tpu.yield
      }) : () -> ()
      %add3A_80 = arith.constant 1 : i32
      %add3A_81 = arith.addi %add3A_79, %add3A_80 : i32
      "tpu.region"() ({
        %run_scoped3A = tpu.sem_alloc : memref<!tpu.dma_semaphore, #tpu.memory_space<semaphore_mem>>
        %dma_start3A_227 = arith.constant 52 : i32
        %dma_start3A_228 = arith.constant 0 : i32
        %dma_start3A_229 = tpu.memref_slice %arg6[%dma_start3A_227, %dma_start3A_228] : memref<104x64xf32, #tpu.memory_space<vmem>> -> memref<50x64xf32, #tpu.memory_space<vmem>>
        %dma_start3A_230 = arith.constant 0 : i32
        %dma_start3A_231 = arith.constant 0 : i32
        %dma_start3A_232 = tpu.memref_slice %arg4[%add3A_81, %dma_start3A_230, %dma_start3A_231] : memref<16384x56x128xf32, #tpu.memory_space<hbm>> -> memref<1x50x64xf32, #tpu.memory_space<hbm>>
        %dma_start3A_233 = tpu.memref_squeeze %dma_start3A_232 : memref<1x50x64xf32, #tpu.memory_space<hbm>> -> memref<50x64xf32, #tpu.memory_space<hbm>>
        %dma_start3A_234 = arith.constant 0 : i32
        %dma_start3A_235 = arith.constant 0 : i32
        %dma_start3A_236 = tpu.memref_slice %arg4[%add3A_81, %dma_start3A_234, %dma_start3A_235] : memref<16384x56x128xf32, #tpu.memory_space<hbm>> -> memref<1x50x64xf32, #tpu.memory_space<hbm>>
        %dma_start3A_237 = tpu.memref_squeeze %dma_start3A_236 : memref<1x50x64xf32, #tpu.memory_space<hbm>> -> memref<50x64xf32, #tpu.memory_space<hbm>>
        %dma_start3A_238 = arith.constant 52 : i32
        %dma_start3A_239 = arith.constant 0 : i32
        %dma_start3A_240 = tpu.memref_slice %arg6[%dma_start3A_238, %dma_start3A_239] : memref<104x64xf32, #tpu.memory_space<vmem>> -> memref<50x64xf32, #tpu.memory_space<vmem>>
        tpu.enqueue_dma source(%dma_start3A_240 : memref<50x64xf32, #tpu.memory_space<vmem>>) target(%dma_start3A_237 : memref<50x64xf32, #tpu.memory_space<hbm>>) target_semaphore(%run_scoped3A : memref<!tpu.dma_semaphore, #tpu.memory_space<semaphore_mem>>)
        %dma_wait3A_241 = arith.constant 52 : i32
        %dma_wait3A_242 = arith.constant 0 : i32
        %dma_wait3A_243 = tpu.memref_slice %arg6[%dma_wait3A_241, %dma_wait3A_242] : memref<104x64xf32, #tpu.memory_space<vmem>> -> memref<50x64xf32, #tpu.memory_space<vmem>>
        %dma_wait3A_244 = arith.constant 0 : i32
        %dma_wait3A_245 = arith.constant 0 : i32
        %dma_wait3A_246 = tpu.memref_slice %arg4[%add3A_81, %dma_wait3A_244, %dma_wait3A_245] : memref<16384x56x128xf32, #tpu.memory_space<hbm>> -> memref<1x50x64xf32, #tpu.memory_space<hbm>>
        %dma_wait3A_247 = tpu.memref_squeeze %dma_wait3A_246 : memref<1x50x64xf32, #tpu.memory_space<hbm>> -> memref<50x64xf32, #tpu.memory_space<hbm>>
        %dma_wait3A_248 = arith.constant 0 : i32
        %dma_wait3A_249 = arith.constant 0 : i32
        %dma_wait3A_250 = tpu.memref_slice %arg4[%add3A_81, %dma_wait3A_248, %dma_wait3A_249] : memref<16384x56x128xf32, #tpu.memory_space<hbm>> -> memref<1x50x64xf32, #tpu.memory_space<hbm>>
        %dma_wait3A_251 = tpu.memref_squeeze %dma_wait3A_250 : memref<1x50x64xf32, #tpu.memory_space<hbm>> -> memref<50x64xf32, #tpu.memory_space<hbm>>
        %dma_wait3A_252 = arith.constant 52 : i32
        %dma_wait3A_253 = arith.constant 0 : i32
        %dma_wait3A_254 = tpu.memref_slice %arg6[%dma_wait3A_252, %dma_wait3A_253] : memref<104x64xf32, #tpu.memory_space<vmem>> -> memref<50x64xf32, #tpu.memory_space<vmem>>
        tpu.wait_dma2 semaphore(%run_scoped3A : memref<!tpu.dma_semaphore, #tpu.memory_space<semaphore_mem>>) src(%dma_wait3A_254 : memref<50x64xf32, #tpu.memory_space<vmem>>) dst(%dma_wait3A_251 : memref<50x64xf32, #tpu.memory_space<hbm>>)
        tpu.yield
      }) : () -> ()
      %add3A_82 = arith.constant 8 : i32
      %add3A_83 = arith.addi %add3A_71, %add3A_82 : i32
      %lt3A = arith.constant 256 : i32
      %lt3A_84 = arith.cmpi slt, %add3A_83, %lt3A : i32
      %convert_element_type3A = arith.extui %lt3A_84 : i1 to i32
      %cond3A = arith.constant 0 : i32
      %cond3A_85 = arith.cmpi ne, %convert_element_type3A, %cond3A : i32
      scf.if %cond3A_85 {
        %add3A_227 = arith.constant 8 : i32
        %add3A_228 = arith.addi %add3A_71, %add3A_227 : i32
        %dma_start3A_229 = arith.constant 0 : i32
        %dma_start3A_230 = tpu.memref_slice %arg5[%add3A_228, %dma_start3A_229] : memref<256x104xi32, #tpu.memory_space<vmem>> -> memref<1x104xi32, #tpu.memory_space<vmem>>
        %dma_start3A_231 = tpu.memref_squeeze %dma_start3A_230 : memref<1x104xi32, #tpu.memory_space<vmem>> -> memref<104xi32, #tpu.memory_space<vmem>>
        %dma_start3A_232 = arith.constant 0 : i32
        %dma_start3A_233 = arith.constant 0 : i32
        %dma_start3A_234 = tpu.memref_slice %arg3[%dma_start3A_232, %dma_start3A_233] : memref<1000000x64xf32, #tpu.memory_space<hbm>> -> memref<1000000x64xf32, #tpu.memory_space<hbm>>
        tpu.enqueue_indirect_dma source(%dma_start3A_234 : memref<1000000x64xf32, #tpu.memory_space<hbm>>) target(%arg6 : memref<104x64xf32, #tpu.memory_space<vmem>>) offsets(%dma_start3A_231 : memref<104xi32, #tpu.memory_space<vmem>>) semaphore(%arg14 : memref<!tpu.dma_semaphore, #tpu.memory_space<semaphore_mem>>)
      } else {
      }
      %add3A_86 = arith.constant 1 : i32
      %add3A_87 = arith.addi %mul3A_69, %add3A_86 : i32
      %dma_wait3A_88 = arith.constant 0 : i32
      %dma_wait3A_89 = tpu.memref_slice %arg5[%add3A_87, %dma_wait3A_88] : memref<256x104xi32, #tpu.memory_space<vmem>> -> memref<1x104xi32, #tpu.memory_space<vmem>>
      %dma_wait3A_90 = tpu.memref_squeeze %dma_wait3A_89 : memref<1x104xi32, #tpu.memory_space<vmem>> -> memref<104xi32, #tpu.memory_space<vmem>>
      %dma_wait3A_91 = arith.constant 0 : i32
      %dma_wait3A_92 = arith.constant 0 : i32
      %dma_wait3A_93 = tpu.memref_slice %arg3[%dma_wait3A_91, %dma_wait3A_92] : memref<1000000x64xf32, #tpu.memory_space<hbm>> -> memref<1000000x64xf32, #tpu.memory_space<hbm>>
      tpu.wait_indirect_dma semaphore(%arg15 : memref<!tpu.dma_semaphore, #tpu.memory_space<semaphore_mem>>) src(%dma_wait3A_93 : memref<1000000x64xf32, #tpu.memory_space<hbm>>) dst(%arg7 : memref<104x64xf32, #tpu.memory_space<vmem>>)
      %mul3A_94 = arith.constant 2 : i32
      %mul3A_95 = arith.muli %mul3A_94, %add3A_87 : i32
      %add3A_96 = arith.addi %mul3A_2, %mul3A_95 : i32
      "tpu.region"() ({
        %run_scoped3A = tpu.sem_alloc : memref<!tpu.dma_semaphore, #tpu.memory_space<semaphore_mem>>
        %dma_start3A_227 = arith.constant 0 : i32
        %dma_start3A_228 = arith.constant 0 : i32
        %dma_start3A_229 = tpu.memref_slice %arg7[%dma_start3A_227, %dma_start3A_228] : memref<104x64xf32, #tpu.memory_space<vmem>> -> memref<50x64xf32, #tpu.memory_space<vmem>>
        %dma_start3A_230 = arith.constant 0 : i32
        %dma_start3A_231 = arith.constant 0 : i32
        %dma_start3A_232 = tpu.memref_slice %arg4[%add3A_96, %dma_start3A_230, %dma_start3A_231] : memref<16384x56x128xf32, #tpu.memory_space<hbm>> -> memref<1x50x64xf32, #tpu.memory_space<hbm>>
        %dma_start3A_233 = tpu.memref_squeeze %dma_start3A_232 : memref<1x50x64xf32, #tpu.memory_space<hbm>> -> memref<50x64xf32, #tpu.memory_space<hbm>>
        %dma_start3A_234 = arith.constant 0 : i32
        %dma_start3A_235 = arith.constant 0 : i32
        %dma_start3A_236 = tpu.memref_slice %arg4[%add3A_96, %dma_start3A_234, %dma_start3A_235] : memref<16384x56x128xf32, #tpu.memory_space<hbm>> -> memref<1x50x64xf32, #tpu.memory_space<hbm>>
        %dma_start3A_237 = tpu.memref_squeeze %dma_start3A_236 : memref<1x50x64xf32, #tpu.memory_space<hbm>> -> memref<50x64xf32, #tpu.memory_space<hbm>>
        %dma_start3A_238 = arith.constant 0 : i32
        %dma_start3A_239 = arith.constant 0 : i32
        %dma_start3A_240 = tpu.memref_slice %arg7[%dma_start3A_238, %dma_start3A_239] : memref<104x64xf32, #tpu.memory_space<vmem>> -> memref<50x64xf32, #tpu.memory_space<vmem>>
        tpu.enqueue_dma source(%dma_start3A_240 : memref<50x64xf32, #tpu.memory_space<vmem>>) target(%dma_start3A_237 : memref<50x64xf32, #tpu.memory_space<hbm>>) target_semaphore(%run_scoped3A : memref<!tpu.dma_semaphore, #tpu.memory_space<semaphore_mem>>)
        %dma_wait3A_241 = arith.constant 0 : i32
        %dma_wait3A_242 = arith.constant 0 : i32
        %dma_wait3A_243 = tpu.memref_slice %arg7[%dma_wait3A_241, %dma_wait3A_242] : memref<104x64xf32, #tpu.memory_space<vmem>> -> memref<50x64xf32, #tpu.memory_space<vmem>>
        %dma_wait3A_244 = arith.constant 0 : i32
        %dma_wait3A_245 = arith.constant 0 : i32
        %dma_wait3A_246 = tpu.memref_slice %arg4[%add3A_96, %dma_wait3A_244, %dma_wait3A_245] : memref<16384x56x128xf32, #tpu.memory_space<hbm>> -> memref<1x50x64xf32, #tpu.memory_space<hbm>>
        %dma_wait3A_247 = tpu.memref_squeeze %dma_wait3A_246 : memref<1x50x64xf32, #tpu.memory_space<hbm>> -> memref<50x64xf32, #tpu.memory_space<hbm>>
        %dma_wait3A_248 = arith.constant 0 : i32
        %dma_wait3A_249 = arith.constant 0 : i32
        %dma_wait3A_250 = tpu.memref_slice %arg4[%add3A_96, %dma_wait3A_248, %dma_wait3A_249] : memref<16384x56x128xf32, #tpu.memory_space<hbm>> -> memref<1x50x64xf32, #tpu.memory_space<hbm>>
        %dma_wait3A_251 = tpu.memref_squeeze %dma_wait3A_250 : memref<1x50x64xf32, #tpu.memory_space<hbm>> -> memref<50x64xf32, #tpu.memory_space<hbm>>
        %dma_wait3A_252 = arith.constant 0 : i32
        %dma_wait3A_253 = arith.constant 0 : i32
        %dma_wait3A_254 = tpu.memref_slice %arg7[%dma_wait3A_252, %dma_wait3A_253] : memref<104x64xf32, #tpu.memory_space<vmem>> -> memref<50x64xf32, #tpu.memory_space<vmem>>
        tpu.wait_dma2 semaphore(%run_scoped3A : memref<!tpu.dma_semaphore, #tpu.memory_space<semaphore_mem>>) src(%dma_wait3A_254 : memref<50x64xf32, #tpu.memory_space<vmem>>) dst(%dma_wait3A_251 : memref<50x64xf32, #tpu.memory_space<hbm>>)
        tpu.yield
      }) : () -> ()
      %add3A_97 = arith.constant 1 : i32
      %add3A_98 = arith.addi %add3A_96, %add3A_97 : i32
      "tpu.region"() ({
        %run_scoped3A = tpu.sem_alloc : memref<!tpu.dma_semaphore, #tpu.memory_space<semaphore_mem>>
        %dma_start3A_227 = arith.constant 52 : i32
        %dma_start3A_228 = arith.constant 0 : i32
        %dma_start3A_229 = tpu.memref_slice %arg7[%dma_start3A_227, %dma_start3A_228] : memref<104x64xf32, #tpu.memory_space<vmem>> -> memref<50x64xf32, #tpu.memory_space<vmem>>
        %dma_start3A_230 = arith.constant 0 : i32
        %dma_start3A_231 = arith.constant 0 : i32
        %dma_start3A_232 = tpu.memref_slice %arg4[%add3A_98, %dma_start3A_230, %dma_start3A_231] : memref<16384x56x128xf32, #tpu.memory_space<hbm>> -> memref<1x50x64xf32, #tpu.memory_space<hbm>>
        %dma_start3A_233 = tpu.memref_squeeze %dma_start3A_232 : memref<1x50x64xf32, #tpu.memory_space<hbm>> -> memref<50x64xf32, #tpu.memory_space<hbm>>
        %dma_start3A_234 = arith.constant 0 : i32
        %dma_start3A_235 = arith.constant 0 : i32
        %dma_start3A_236 = tpu.memref_slice %arg4[%add3A_98, %dma_start3A_234, %dma_start3A_235] : memref<16384x56x128xf32, #tpu.memory_space<hbm>> -> memref<1x50x64xf32, #tpu.memory_space<hbm>>
        %dma_start3A_237 = tpu.memref_squeeze %dma_start3A_236 : memref<1x50x64xf32, #tpu.memory_space<hbm>> -> memref<50x64xf32, #tpu.memory_space<hbm>>
        %dma_start3A_238 = arith.constant 52 : i32
        %dma_start3A_239 = arith.constant 0 : i32
        %dma_start3A_240 = tpu.memref_slice %arg7[%dma_start3A_238, %dma_start3A_239] : memref<104x64xf32, #tpu.memory_space<vmem>> -> memref<50x64xf32, #tpu.memory_space<vmem>>
        tpu.enqueue_dma source(%dma_start3A_240 : memref<50x64xf32, #tpu.memory_space<vmem>>) target(%dma_start3A_237 : memref<50x64xf32, #tpu.memory_space<hbm>>) target_semaphore(%run_scoped3A : memref<!tpu.dma_semaphore, #tpu.memory_space<semaphore_mem>>)
        %dma_wait3A_241 = arith.constant 52 : i32
        %dma_wait3A_242 = arith.constant 0 : i32
        %dma_wait3A_243 = tpu.memref_slice %arg7[%dma_wait3A_241, %dma_wait3A_242] : memref<104x64xf32, #tpu.memory_space<vmem>> -> memref<50x64xf32, #tpu.memory_space<vmem>>
        %dma_wait3A_244 = arith.constant 0 : i32
        %dma_wait3A_245 = arith.constant 0 : i32
        %dma_wait3A_246 = tpu.memref_slice %arg4[%add3A_98, %dma_wait3A_244, %dma_wait3A_245] : memref<16384x56x128xf32, #tpu.memory_space<hbm>> -> memref<1x50x64xf32, #tpu.memory_space<hbm>>
        %dma_wait3A_247 = tpu.memref_squeeze %dma_wait3A_246 : memref<1x50x64xf32, #tpu.memory_space<hbm>> -> memref<50x64xf32, #tpu.memory_space<hbm>>
        %dma_wait3A_248 = arith.constant 0 : i32
        %dma_wait3A_249 = arith.constant 0 : i32
        %dma_wait3A_250 = tpu.memref_slice %arg4[%add3A_98, %dma_wait3A_248, %dma_wait3A_249] : memref<16384x56x128xf32, #tpu.memory_space<hbm>> -> memref<1x50x64xf32, #tpu.memory_space<hbm>>
        %dma_wait3A_251 = tpu.memref_squeeze %dma_wait3A_250 : memref<1x50x64xf32, #tpu.memory_space<hbm>> -> memref<50x64xf32, #tpu.memory_space<hbm>>
        %dma_wait3A_252 = arith.constant 52 : i32
        %dma_wait3A_253 = arith.constant 0 : i32
        %dma_wait3A_254 = tpu.memref_slice %arg7[%dma_wait3A_252, %dma_wait3A_253] : memref<104x64xf32, #tpu.memory_space<vmem>> -> memref<50x64xf32, #tpu.memory_space<vmem>>
        tpu.wait_dma2 semaphore(%run_scoped3A : memref<!tpu.dma_semaphore, #tpu.memory_space<semaphore_mem>>) src(%dma_wait3A_254 : memref<50x64xf32, #tpu.memory_space<vmem>>) dst(%dma_wait3A_251 : memref<50x64xf32, #tpu.memory_space<hbm>>)
        tpu.yield
      }) : () -> ()
      %add3A_99 = arith.constant 8 : i32
      %add3A_100 = arith.addi %add3A_87, %add3A_99 : i32
      %lt3A_101 = arith.constant 256 : i32
      %lt3A_102 = arith.cmpi slt, %add3A_100, %lt3A_101 : i32
      %convert_element_type3A_103 = arith.extui %lt3A_102 : i1 to i32
      %cond3A_104 = arith.constant 0 : i32
      %cond3A_105 = arith.cmpi ne, %convert_element_type3A_103, %cond3A_104 : i32
      scf.if %cond3A_105 {
        %add3A_227 = arith.constant 8 : i32
        %add3A_228 = arith.addi %add3A_87, %add3A_227 : i32
        %dma_start3A_229 = arith.constant 0 : i32
        %dma_start3A_230 = tpu.memref_slice %arg5[%add3A_228, %dma_start3A_229] : memref<256x104xi32, #tpu.memory_space<vmem>> -> memref<1x104xi32, #tpu.memory_space<vmem>>
        %dma_start3A_231 = tpu.memref_squeeze %dma_start3A_230 : memref<1x104xi32, #tpu.memory_space<vmem>> -> memref<104xi32, #tpu.memory_space<vmem>>
        %dma_start3A_232 = arith.constant 0 : i32
        %dma_start3A_233 = arith.constant 0 : i32
        %dma_start3A_234 = tpu.memref_slice %arg3[%dma_start3A_232, %dma_start3A_233] : memref<1000000x64xf32, #tpu.memory_space<hbm>> -> memref<1000000x64xf32, #tpu.memory_space<hbm>>
        tpu.enqueue_indirect_dma source(%dma_start3A_234 : memref<1000000x64xf32, #tpu.memory_space<hbm>>) target(%arg7 : memref<104x64xf32, #tpu.memory_space<vmem>>) offsets(%dma_start3A_231 : memref<104xi32, #tpu.memory_space<vmem>>) semaphore(%arg15 : memref<!tpu.dma_semaphore, #tpu.memory_space<semaphore_mem>>)
      } else {
      }
      %add3A_106 = arith.constant 2 : i32
      %add3A_107 = arith.addi %mul3A_69, %add3A_106 : i32
      %dma_wait3A_108 = arith.constant 0 : i32
      %dma_wait3A_109 = tpu.memref_slice %arg5[%add3A_107, %dma_wait3A_108] : memref<256x104xi32, #tpu.memory_space<vmem>> -> memref<1x104xi32, #tpu.memory_space<vmem>>
      %dma_wait3A_110 = tpu.memref_squeeze %dma_wait3A_109 : memref<1x104xi32, #tpu.memory_space<vmem>> -> memref<104xi32, #tpu.memory_space<vmem>>
      %dma_wait3A_111 = arith.constant 0 : i32
      %dma_wait3A_112 = arith.constant 0 : i32
      %dma_wait3A_113 = tpu.memref_slice %arg3[%dma_wait3A_111, %dma_wait3A_112] : memref<1000000x64xf32, #tpu.memory_space<hbm>> -> memref<1000000x64xf32, #tpu.memory_space<hbm>>
      tpu.wait_indirect_dma semaphore(%arg16 : memref<!tpu.dma_semaphore, #tpu.memory_space<semaphore_mem>>) src(%dma_wait3A_113 : memref<1000000x64xf32, #tpu.memory_space<hbm>>) dst(%arg8 : memref<104x64xf32, #tpu.memory_space<vmem>>)
      %mul3A_114 = arith.constant 2 : i32
      %mul3A_115 = arith.muli %mul3A_114, %add3A_107 : i32
      %add3A_116 = arith.addi %mul3A_2, %mul3A_115 : i32
      "tpu.region"() ({
        %run_scoped3A = tpu.sem_alloc : memref<!tpu.dma_semaphore, #tpu.memory_space<semaphore_mem>>
        %dma_start3A_227 = arith.constant 0 : i32
        %dma_start3A_228 = arith.constant 0 : i32
        %dma_start3A_229 = tpu.memref_slice %arg8[%dma_start3A_227, %dma_start3A_228] : memref<104x64xf32, #tpu.memory_space<vmem>> -> memref<50x64xf32, #tpu.memory_space<vmem>>
        %dma_start3A_230 = arith.constant 0 : i32
        %dma_start3A_231 = arith.constant 0 : i32
        %dma_start3A_232 = tpu.memref_slice %arg4[%add3A_116, %dma_start3A_230, %dma_start3A_231] : memref<16384x56x128xf32, #tpu.memory_space<hbm>> -> memref<1x50x64xf32, #tpu.memory_space<hbm>>
        %dma_start3A_233 = tpu.memref_squeeze %dma_start3A_232 : memref<1x50x64xf32, #tpu.memory_space<hbm>> -> memref<50x64xf32, #tpu.memory_space<hbm>>
        %dma_start3A_234 = arith.constant 0 : i32
        %dma_start3A_235 = arith.constant 0 : i32
        %dma_start3A_236 = tpu.memref_slice %arg4[%add3A_116, %dma_start3A_234, %dma_start3A_235] : memref<16384x56x128xf32, #tpu.memory_space<hbm>> -> memref<1x50x64xf32, #tpu.memory_space<hbm>>
        %dma_start3A_237 = tpu.memref_squeeze %dma_start3A_236 : memref<1x50x64xf32, #tpu.memory_space<hbm>> -> memref<50x64xf32, #tpu.memory_space<hbm>>
        %dma_start3A_238 = arith.constant 0 : i32
        %dma_start3A_239 = arith.constant 0 : i32
        %dma_start3A_240 = tpu.memref_slice %arg8[%dma_start3A_238, %dma_start3A_239] : memref<104x64xf32, #tpu.memory_space<vmem>> -> memref<50x64xf32, #tpu.memory_space<vmem>>
        tpu.enqueue_dma source(%dma_start3A_240 : memref<50x64xf32, #tpu.memory_space<vmem>>) target(%dma_start3A_237 : memref<50x64xf32, #tpu.memory_space<hbm>>) target_semaphore(%run_scoped3A : memref<!tpu.dma_semaphore, #tpu.memory_space<semaphore_mem>>)
        %dma_wait3A_241 = arith.constant 0 : i32
        %dma_wait3A_242 = arith.constant 0 : i32
        %dma_wait3A_243 = tpu.memref_slice %arg8[%dma_wait3A_241, %dma_wait3A_242] : memref<104x64xf32, #tpu.memory_space<vmem>> -> memref<50x64xf32, #tpu.memory_space<vmem>>
        %dma_wait3A_244 = arith.constant 0 : i32
        %dma_wait3A_245 = arith.constant 0 : i32
        %dma_wait3A_246 = tpu.memref_slice %arg4[%add3A_116, %dma_wait3A_244, %dma_wait3A_245] : memref<16384x56x128xf32, #tpu.memory_space<hbm>> -> memref<1x50x64xf32, #tpu.memory_space<hbm>>
        %dma_wait3A_247 = tpu.memref_squeeze %dma_wait3A_246 : memref<1x50x64xf32, #tpu.memory_space<hbm>> -> memref<50x64xf32, #tpu.memory_space<hbm>>
        %dma_wait3A_248 = arith.constant 0 : i32
        %dma_wait3A_249 = arith.constant 0 : i32
        %dma_wait3A_250 = tpu.memref_slice %arg4[%add3A_116, %dma_wait3A_248, %dma_wait3A_249] : memref<16384x56x128xf32, #tpu.memory_space<hbm>> -> memref<1x50x64xf32, #tpu.memory_space<hbm>>
        %dma_wait3A_251 = tpu.memref_squeeze %dma_wait3A_250 : memref<1x50x64xf32, #tpu.memory_space<hbm>> -> memref<50x64xf32, #tpu.memory_space<hbm>>
        %dma_wait3A_252 = arith.constant 0 : i32
        %dma_wait3A_253 = arith.constant 0 : i32
        %dma_wait3A_254 = tpu.memref_slice %arg8[%dma_wait3A_252, %dma_wait3A_253] : memref<104x64xf32, #tpu.memory_space<vmem>> -> memref<50x64xf32, #tpu.memory_space<vmem>>
        tpu.wait_dma2 semaphore(%run_scoped3A : memref<!tpu.dma_semaphore, #tpu.memory_space<semaphore_mem>>) src(%dma_wait3A_254 : memref<50x64xf32, #tpu.memory_space<vmem>>) dst(%dma_wait3A_251 : memref<50x64xf32, #tpu.memory_space<hbm>>)
        tpu.yield
      }) : () -> ()
      %add3A_117 = arith.constant 1 : i32
      %add3A_118 = arith.addi %add3A_116, %add3A_117 : i32
      "tpu.region"() ({
        %run_scoped3A = tpu.sem_alloc : memref<!tpu.dma_semaphore, #tpu.memory_space<semaphore_mem>>
        %dma_start3A_227 = arith.constant 52 : i32
        %dma_start3A_228 = arith.constant 0 : i32
        %dma_start3A_229 = tpu.memref_slice %arg8[%dma_start3A_227, %dma_start3A_228] : memref<104x64xf32, #tpu.memory_space<vmem>> -> memref<50x64xf32, #tpu.memory_space<vmem>>
        %dma_start3A_230 = arith.constant 0 : i32
        %dma_start3A_231 = arith.constant 0 : i32
        %dma_start3A_232 = tpu.memref_slice %arg4[%add3A_118, %dma_start3A_230, %dma_start3A_231] : memref<16384x56x128xf32, #tpu.memory_space<hbm>> -> memref<1x50x64xf32, #tpu.memory_space<hbm>>
        %dma_start3A_233 = tpu.memref_squeeze %dma_start3A_232 : memref<1x50x64xf32, #tpu.memory_space<hbm>> -> memref<50x64xf32, #tpu.memory_space<hbm>>
        %dma_start3A_234 = arith.constant 0 : i32
        %dma_start3A_235 = arith.constant 0 : i32
        %dma_start3A_236 = tpu.memref_slice %arg4[%add3A_118, %dma_start3A_234, %dma_start3A_235] : memref<16384x56x128xf32, #tpu.memory_space<hbm>> -> memref<1x50x64xf32, #tpu.memory_space<hbm>>
        %dma_start3A_237 = tpu.memref_squeeze %dma_start3A_236 : memref<1x50x64xf32, #tpu.memory_space<hbm>> -> memref<50x64xf32, #tpu.memory_space<hbm>>
        %dma_start3A_238 = arith.constant 52 : i32
        %dma_start3A_239 = arith.constant 0 : i32
        %dma_start3A_240 = tpu.memref_slice %arg8[%dma_start3A_238, %dma_start3A_239] : memref<104x64xf32, #tpu.memory_space<vmem>> -> memref<50x64xf32, #tpu.memory_space<vmem>>
        tpu.enqueue_dma source(%dma_start3A_240 : memref<50x64xf32, #tpu.memory_space<vmem>>) target(%dma_start3A_237 : memref<50x64xf32, #tpu.memory_space<hbm>>) target_semaphore(%run_scoped3A : memref<!tpu.dma_semaphore, #tpu.memory_space<semaphore_mem>>)
        %dma_wait3A_241 = arith.constant 52 : i32
        %dma_wait3A_242 = arith.constant 0 : i32
        %dma_wait3A_243 = tpu.memref_slice %arg8[%dma_wait3A_241, %dma_wait3A_242] : memref<104x64xf32, #tpu.memory_space<vmem>> -> memref<50x64xf32, #tpu.memory_space<vmem>>
        %dma_wait3A_244 = arith.constant 0 : i32
        %dma_wait3A_245 = arith.constant 0 : i32
        %dma_wait3A_246 = tpu.memref_slice %arg4[%add3A_118, %dma_wait3A_244, %dma_wait3A_245] : memref<16384x56x128xf32, #tpu.memory_space<hbm>> -> memref<1x50x64xf32, #tpu.memory_space<hbm>>
        %dma_wait3A_247 = tpu.memref_squeeze %dma_wait3A_246 : memref<1x50x64xf32, #tpu.memory_space<hbm>> -> memref<50x64xf32, #tpu.memory_space<hbm>>
        %dma_wait3A_248 = arith.constant 0 : i32
        %dma_wait3A_249 = arith.constant 0 : i32
        %dma_wait3A_250 = tpu.memref_slice %arg4[%add3A_118, %dma_wait3A_248, %dma_wait3A_249] : memref<16384x56x128xf32, #tpu.memory_space<hbm>> -> memref<1x50x64xf32, #tpu.memory_space<hbm>>
        %dma_wait3A_251 = tpu.memref_squeeze %dma_wait3A_250 : memref<1x50x64xf32, #tpu.memory_space<hbm>> -> memref<50x64xf32, #tpu.memory_space<hbm>>
        %dma_wait3A_252 = arith.constant 52 : i32
        %dma_wait3A_253 = arith.constant 0 : i32
        %dma_wait3A_254 = tpu.memref_slice %arg8[%dma_wait3A_252, %dma_wait3A_253] : memref<104x64xf32, #tpu.memory_space<vmem>> -> memref<50x64xf32, #tpu.memory_space<vmem>>
        tpu.wait_dma2 semaphore(%run_scoped3A : memref<!tpu.dma_semaphore, #tpu.memory_space<semaphore_mem>>) src(%dma_wait3A_254 : memref<50x64xf32, #tpu.memory_space<vmem>>) dst(%dma_wait3A_251 : memref<50x64xf32, #tpu.memory_space<hbm>>)
        tpu.yield
      }) : () -> ()
      %add3A_119 = arith.constant 8 : i32
      %add3A_120 = arith.addi %add3A_107, %add3A_119 : i32
      %lt3A_121 = arith.constant 256 : i32
      %lt3A_122 = arith.cmpi slt, %add3A_120, %lt3A_121 : i32
      %convert_element_type3A_123 = arith.extui %lt3A_122 : i1 to i32
      %cond3A_124 = arith.constant 0 : i32
      %cond3A_125 = arith.cmpi ne, %convert_element_type3A_123, %cond3A_124 : i32
      scf.if %cond3A_125 {
        %add3A_227 = arith.constant 8 : i32
        %add3A_228 = arith.addi %add3A_107, %add3A_227 : i32
        %dma_start3A_229 = arith.constant 0 : i32
        %dma_start3A_230 = tpu.memref_slice %arg5[%add3A_228, %dma_start3A_229] : memref<256x104xi32, #tpu.memory_space<vmem>> -> memref<1x104xi32, #tpu.memory_space<vmem>>
        %dma_start3A_231 = tpu.memref_squeeze %dma_start3A_230 : memref<1x104xi32, #tpu.memory_space<vmem>> -> memref<104xi32, #tpu.memory_space<vmem>>
        %dma_start3A_232 = arith.constant 0 : i32
        %dma_start3A_233 = arith.constant 0 : i32
        %dma_start3A_234 = tpu.memref_slice %arg3[%dma_start3A_232, %dma_start3A_233] : memref<1000000x64xf32, #tpu.memory_space<hbm>> -> memref<1000000x64xf32, #tpu.memory_space<hbm>>
        tpu.enqueue_indirect_dma source(%dma_start3A_234 : memref<1000000x64xf32, #tpu.memory_space<hbm>>) target(%arg8 : memref<104x64xf32, #tpu.memory_space<vmem>>) offsets(%dma_start3A_231 : memref<104xi32, #tpu.memory_space<vmem>>) semaphore(%arg16 : memref<!tpu.dma_semaphore, #tpu.memory_space<semaphore_mem>>)
      } else {
      }
      %add3A_126 = arith.constant 3 : i32
      %add3A_127 = arith.addi %mul3A_69, %add3A_126 : i32
      %dma_wait3A_128 = arith.constant 0 : i32
      %dma_wait3A_129 = tpu.memref_slice %arg5[%add3A_127, %dma_wait3A_128] : memref<256x104xi32, #tpu.memory_space<vmem>> -> memref<1x104xi32, #tpu.memory_space<vmem>>
      %dma_wait3A_130 = tpu.memref_squeeze %dma_wait3A_129 : memref<1x104xi32, #tpu.memory_space<vmem>> -> memref<104xi32, #tpu.memory_space<vmem>>
      %dma_wait3A_131 = arith.constant 0 : i32
      %dma_wait3A_132 = arith.constant 0 : i32
      %dma_wait3A_133 = tpu.memref_slice %arg3[%dma_wait3A_131, %dma_wait3A_132] : memref<1000000x64xf32, #tpu.memory_space<hbm>> -> memref<1000000x64xf32, #tpu.memory_space<hbm>>
      tpu.wait_indirect_dma semaphore(%arg17 : memref<!tpu.dma_semaphore, #tpu.memory_space<semaphore_mem>>) src(%dma_wait3A_133 : memref<1000000x64xf32, #tpu.memory_space<hbm>>) dst(%arg9 : memref<104x64xf32, #tpu.memory_space<vmem>>)
      %mul3A_134 = arith.constant 2 : i32
      %mul3A_135 = arith.muli %mul3A_134, %add3A_127 : i32
      %add3A_136 = arith.addi %mul3A_2, %mul3A_135 : i32
      "tpu.region"() ({
        %run_scoped3A = tpu.sem_alloc : memref<!tpu.dma_semaphore, #tpu.memory_space<semaphore_mem>>
        %dma_start3A_227 = arith.constant 0 : i32
        %dma_start3A_228 = arith.constant 0 : i32
        %dma_start3A_229 = tpu.memref_slice %arg9[%dma_start3A_227, %dma_start3A_228] : memref<104x64xf32, #tpu.memory_space<vmem>> -> memref<50x64xf32, #tpu.memory_space<vmem>>
        %dma_start3A_230 = arith.constant 0 : i32
        %dma_start3A_231 = arith.constant 0 : i32
        %dma_start3A_232 = tpu.memref_slice %arg4[%add3A_136, %dma_start3A_230, %dma_start3A_231] : memref<16384x56x128xf32, #tpu.memory_space<hbm>> -> memref<1x50x64xf32, #tpu.memory_space<hbm>>
        %dma_start3A_233 = tpu.memref_squeeze %dma_start3A_232 : memref<1x50x64xf32, #tpu.memory_space<hbm>> -> memref<50x64xf32, #tpu.memory_space<hbm>>
        %dma_start3A_234 = arith.constant 0 : i32
        %dma_start3A_235 = arith.constant 0 : i32
        %dma_start3A_236 = tpu.memref_slice %arg4[%add3A_136, %dma_start3A_234, %dma_start3A_235] : memref<16384x56x128xf32, #tpu.memory_space<hbm>> -> memref<1x50x64xf32, #tpu.memory_space<hbm>>
        %dma_start3A_237 = tpu.memref_squeeze %dma_start3A_236 : memref<1x50x64xf32, #tpu.memory_space<hbm>> -> memref<50x64xf32, #tpu.memory_space<hbm>>
        %dma_start3A_238 = arith.constant 0 : i32
        %dma_start3A_239 = arith.constant 0 : i32
        %dma_start3A_240 = tpu.memref_slice %arg9[%dma_start3A_238, %dma_start3A_239] : memref<104x64xf32, #tpu.memory_space<vmem>> -> memref<50x64xf32, #tpu.memory_space<vmem>>
        tpu.enqueue_dma source(%dma_start3A_240 : memref<50x64xf32, #tpu.memory_space<vmem>>) target(%dma_start3A_237 : memref<50x64xf32, #tpu.memory_space<hbm>>) target_semaphore(%run_scoped3A : memref<!tpu.dma_semaphore, #tpu.memory_space<semaphore_mem>>)
        %dma_wait3A_241 = arith.constant 0 : i32
        %dma_wait3A_242 = arith.constant 0 : i32
        %dma_wait3A_243 = tpu.memref_slice %arg9[%dma_wait3A_241, %dma_wait3A_242] : memref<104x64xf32, #tpu.memory_space<vmem>> -> memref<50x64xf32, #tpu.memory_space<vmem>>
        %dma_wait3A_244 = arith.constant 0 : i32
        %dma_wait3A_245 = arith.constant 0 : i32
        %dma_wait3A_246 = tpu.memref_slice %arg4[%add3A_136, %dma_wait3A_244, %dma_wait3A_245] : memref<16384x56x128xf32, #tpu.memory_space<hbm>> -> memref<1x50x64xf32, #tpu.memory_space<hbm>>
        %dma_wait3A_247 = tpu.memref_squeeze %dma_wait3A_246 : memref<1x50x64xf32, #tpu.memory_space<hbm>> -> memref<50x64xf32, #tpu.memory_space<hbm>>
        %dma_wait3A_248 = arith.constant 0 : i32
        %dma_wait3A_249 = arith.constant 0 : i32
        %dma_wait3A_250 = tpu.memref_slice %arg4[%add3A_136, %dma_wait3A_248, %dma_wait3A_249] : memref<16384x56x128xf32, #tpu.memory_space<hbm>> -> memref<1x50x64xf32, #tpu.memory_space<hbm>>
        %dma_wait3A_251 = tpu.memref_squeeze %dma_wait3A_250 : memref<1x50x64xf32, #tpu.memory_space<hbm>> -> memref<50x64xf32, #tpu.memory_space<hbm>>
        %dma_wait3A_252 = arith.constant 0 : i32
        %dma_wait3A_253 = arith.constant 0 : i32
        %dma_wait3A_254 = tpu.memref_slice %arg9[%dma_wait3A_252, %dma_wait3A_253] : memref<104x64xf32, #tpu.memory_space<vmem>> -> memref<50x64xf32, #tpu.memory_space<vmem>>
        tpu.wait_dma2 semaphore(%run_scoped3A : memref<!tpu.dma_semaphore, #tpu.memory_space<semaphore_mem>>) src(%dma_wait3A_254 : memref<50x64xf32, #tpu.memory_space<vmem>>) dst(%dma_wait3A_251 : memref<50x64xf32, #tpu.memory_space<hbm>>)
        tpu.yield
      }) : () -> ()
      %add3A_137 = arith.constant 1 : i32
      %add3A_138 = arith.addi %add3A_136, %add3A_137 : i32
      "tpu.region"() ({
        %run_scoped3A = tpu.sem_alloc : memref<!tpu.dma_semaphore, #tpu.memory_space<semaphore_mem>>
        %dma_start3A_227 = arith.constant 52 : i32
        %dma_start3A_228 = arith.constant 0 : i32
        %dma_start3A_229 = tpu.memref_slice %arg9[%dma_start3A_227, %dma_start3A_228] : memref<104x64xf32, #tpu.memory_space<vmem>> -> memref<50x64xf32, #tpu.memory_space<vmem>>
        %dma_start3A_230 = arith.constant 0 : i32
        %dma_start3A_231 = arith.constant 0 : i32
        %dma_start3A_232 = tpu.memref_slice %arg4[%add3A_138, %dma_start3A_230, %dma_start3A_231] : memref<16384x56x128xf32, #tpu.memory_space<hbm>> -> memref<1x50x64xf32, #tpu.memory_space<hbm>>
        %dma_start3A_233 = tpu.memref_squeeze %dma_start3A_232 : memref<1x50x64xf32, #tpu.memory_space<hbm>> -> memref<50x64xf32, #tpu.memory_space<hbm>>
        %dma_start3A_234 = arith.constant 0 : i32
        %dma_start3A_235 = arith.constant 0 : i32
        %dma_start3A_236 = tpu.memref_slice %arg4[%add3A_138, %dma_start3A_234, %dma_start3A_235] : memref<16384x56x128xf32, #tpu.memory_space<hbm>> -> memref<1x50x64xf32, #tpu.memory_space<hbm>>
        %dma_start3A_237 = tpu.memref_squeeze %dma_start3A_236 : memref<1x50x64xf32, #tpu.memory_space<hbm>> -> memref<50x64xf32, #tpu.memory_space<hbm>>
        %dma_start3A_238 = arith.constant 52 : i32
        %dma_start3A_239 = arith.constant 0 : i32
        %dma_start3A_240 = tpu.memref_slice %arg9[%dma_start3A_238, %dma_start3A_239] : memref<104x64xf32, #tpu.memory_space<vmem>> -> memref<50x64xf32, #tpu.memory_space<vmem>>
        tpu.enqueue_dma source(%dma_start3A_240 : memref<50x64xf32, #tpu.memory_space<vmem>>) target(%dma_start3A_237 : memref<50x64xf32, #tpu.memory_space<hbm>>) target_semaphore(%run_scoped3A : memref<!tpu.dma_semaphore, #tpu.memory_space<semaphore_mem>>)
        %dma_wait3A_241 = arith.constant 52 : i32
        %dma_wait3A_242 = arith.constant 0 : i32
        %dma_wait3A_243 = tpu.memref_slice %arg9[%dma_wait3A_241, %dma_wait3A_242] : memref<104x64xf32, #tpu.memory_space<vmem>> -> memref<50x64xf32, #tpu.memory_space<vmem>>
        %dma_wait3A_244 = arith.constant 0 : i32
        %dma_wait3A_245 = arith.constant 0 : i32
        %dma_wait3A_246 = tpu.memref_slice %arg4[%add3A_138, %dma_wait3A_244, %dma_wait3A_245] : memref<16384x56x128xf32, #tpu.memory_space<hbm>> -> memref<1x50x64xf32, #tpu.memory_space<hbm>>
        %dma_wait3A_247 = tpu.memref_squeeze %dma_wait3A_246 : memref<1x50x64xf32, #tpu.memory_space<hbm>> -> memref<50x64xf32, #tpu.memory_space<hbm>>
        %dma_wait3A_248 = arith.constant 0 : i32
        %dma_wait3A_249 = arith.constant 0 : i32
        %dma_wait3A_250 = tpu.memref_slice %arg4[%add3A_138, %dma_wait3A_248, %dma_wait3A_249] : memref<16384x56x128xf32, #tpu.memory_space<hbm>> -> memref<1x50x64xf32, #tpu.memory_space<hbm>>
        %dma_wait3A_251 = tpu.memref_squeeze %dma_wait3A_250 : memref<1x50x64xf32, #tpu.memory_space<hbm>> -> memref<50x64xf32, #tpu.memory_space<hbm>>
        %dma_wait3A_252 = arith.constant 52 : i32
        %dma_wait3A_253 = arith.constant 0 : i32
        %dma_wait3A_254 = tpu.memref_slice %arg9[%dma_wait3A_252, %dma_wait3A_253] : memref<104x64xf32, #tpu.memory_space<vmem>> -> memref<50x64xf32, #tpu.memory_space<vmem>>
        tpu.wait_dma2 semaphore(%run_scoped3A : memref<!tpu.dma_semaphore, #tpu.memory_space<semaphore_mem>>) src(%dma_wait3A_254 : memref<50x64xf32, #tpu.memory_space<vmem>>) dst(%dma_wait3A_251 : memref<50x64xf32, #tpu.memory_space<hbm>>)
        tpu.yield
      }) : () -> ()
      %add3A_139 = arith.constant 8 : i32
      %add3A_140 = arith.addi %add3A_127, %add3A_139 : i32
      %lt3A_141 = arith.constant 256 : i32
      %lt3A_142 = arith.cmpi slt, %add3A_140, %lt3A_141 : i32
      %convert_element_type3A_143 = arith.extui %lt3A_142 : i1 to i32
      %cond3A_144 = arith.constant 0 : i32
      %cond3A_145 = arith.cmpi ne, %convert_element_type3A_143, %cond3A_144 : i32
      scf.if %cond3A_145 {
        %add3A_227 = arith.constant 8 : i32
        %add3A_228 = arith.addi %add3A_127, %add3A_227 : i32
        %dma_start3A_229 = arith.constant 0 : i32
        %dma_start3A_230 = tpu.memref_slice %arg5[%add3A_228, %dma_start3A_229] : memref<256x104xi32, #tpu.memory_space<vmem>> -> memref<1x104xi32, #tpu.memory_space<vmem>>
        %dma_start3A_231 = tpu.memref_squeeze %dma_start3A_230 : memref<1x104xi32, #tpu.memory_space<vmem>> -> memref<104xi32, #tpu.memory_space<vmem>>
        %dma_start3A_232 = arith.constant 0 : i32
        %dma_start3A_233 = arith.constant 0 : i32
        %dma_start3A_234 = tpu.memref_slice %arg3[%dma_start3A_232, %dma_start3A_233] : memref<1000000x64xf32, #tpu.memory_space<hbm>> -> memref<1000000x64xf32, #tpu.memory_space<hbm>>
        tpu.enqueue_indirect_dma source(%dma_start3A_234 : memref<1000000x64xf32, #tpu.memory_space<hbm>>) target(%arg9 : memref<104x64xf32, #tpu.memory_space<vmem>>) offsets(%dma_start3A_231 : memref<104xi32, #tpu.memory_space<vmem>>) semaphore(%arg17 : memref<!tpu.dma_semaphore, #tpu.memory_space<semaphore_mem>>)
      } else {
      }
      %add3A_146 = arith.constant 4 : i32
      %add3A_147 = arith.addi %mul3A_69, %add3A_146 : i32
      %dma_wait3A_148 = arith.constant 0 : i32
      %dma_wait3A_149 = tpu.memref_slice %arg5[%add3A_147, %dma_wait3A_148] : memref<256x104xi32, #tpu.memory_space<vmem>> -> memref<1x104xi32, #tpu.memory_space<vmem>>
      %dma_wait3A_150 = tpu.memref_squeeze %dma_wait3A_149 : memref<1x104xi32, #tpu.memory_space<vmem>> -> memref<104xi32, #tpu.memory_space<vmem>>
      %dma_wait3A_151 = arith.constant 0 : i32
      %dma_wait3A_152 = arith.constant 0 : i32
      %dma_wait3A_153 = tpu.memref_slice %arg3[%dma_wait3A_151, %dma_wait3A_152] : memref<1000000x64xf32, #tpu.memory_space<hbm>> -> memref<1000000x64xf32, #tpu.memory_space<hbm>>
      tpu.wait_indirect_dma semaphore(%arg18 : memref<!tpu.dma_semaphore, #tpu.memory_space<semaphore_mem>>) src(%dma_wait3A_153 : memref<1000000x64xf32, #tpu.memory_space<hbm>>) dst(%arg10 : memref<104x64xf32, #tpu.memory_space<vmem>>)
      %mul3A_154 = arith.constant 2 : i32
      %mul3A_155 = arith.muli %mul3A_154, %add3A_147 : i32
      %add3A_156 = arith.addi %mul3A_2, %mul3A_155 : i32
      "tpu.region"() ({
        %run_scoped3A = tpu.sem_alloc : memref<!tpu.dma_semaphore, #tpu.memory_space<semaphore_mem>>
        %dma_start3A_227 = arith.constant 0 : i32
        %dma_start3A_228 = arith.constant 0 : i32
        %dma_start3A_229 = tpu.memref_slice %arg10[%dma_start3A_227, %dma_start3A_228] : memref<104x64xf32, #tpu.memory_space<vmem>> -> memref<50x64xf32, #tpu.memory_space<vmem>>
        %dma_start3A_230 = arith.constant 0 : i32
        %dma_start3A_231 = arith.constant 0 : i32
        %dma_start3A_232 = tpu.memref_slice %arg4[%add3A_156, %dma_start3A_230, %dma_start3A_231] : memref<16384x56x128xf32, #tpu.memory_space<hbm>> -> memref<1x50x64xf32, #tpu.memory_space<hbm>>
        %dma_start3A_233 = tpu.memref_squeeze %dma_start3A_232 : memref<1x50x64xf32, #tpu.memory_space<hbm>> -> memref<50x64xf32, #tpu.memory_space<hbm>>
        %dma_start3A_234 = arith.constant 0 : i32
        %dma_start3A_235 = arith.constant 0 : i32
        %dma_start3A_236 = tpu.memref_slice %arg4[%add3A_156, %dma_start3A_234, %dma_start3A_235] : memref<16384x56x128xf32, #tpu.memory_space<hbm>> -> memref<1x50x64xf32, #tpu.memory_space<hbm>>
        %dma_start3A_237 = tpu.memref_squeeze %dma_start3A_236 : memref<1x50x64xf32, #tpu.memory_space<hbm>> -> memref<50x64xf32, #tpu.memory_space<hbm>>
        %dma_start3A_238 = arith.constant 0 : i32
        %dma_start3A_239 = arith.constant 0 : i32
        %dma_start3A_240 = tpu.memref_slice %arg10[%dma_start3A_238, %dma_start3A_239] : memref<104x64xf32, #tpu.memory_space<vmem>> -> memref<50x64xf32, #tpu.memory_space<vmem>>
        tpu.enqueue_dma source(%dma_start3A_240 : memref<50x64xf32, #tpu.memory_space<vmem>>) target(%dma_start3A_237 : memref<50x64xf32, #tpu.memory_space<hbm>>) target_semaphore(%run_scoped3A : memref<!tpu.dma_semaphore, #tpu.memory_space<semaphore_mem>>)
        %dma_wait3A_241 = arith.constant 0 : i32
        %dma_wait3A_242 = arith.constant 0 : i32
        %dma_wait3A_243 = tpu.memref_slice %arg10[%dma_wait3A_241, %dma_wait3A_242] : memref<104x64xf32, #tpu.memory_space<vmem>> -> memref<50x64xf32, #tpu.memory_space<vmem>>
        %dma_wait3A_244 = arith.constant 0 : i32
        %dma_wait3A_245 = arith.constant 0 : i32
        %dma_wait3A_246 = tpu.memref_slice %arg4[%add3A_156, %dma_wait3A_244, %dma_wait3A_245] : memref<16384x56x128xf32, #tpu.memory_space<hbm>> -> memref<1x50x64xf32, #tpu.memory_space<hbm>>
        %dma_wait3A_247 = tpu.memref_squeeze %dma_wait3A_246 : memref<1x50x64xf32, #tpu.memory_space<hbm>> -> memref<50x64xf32, #tpu.memory_space<hbm>>
        %dma_wait3A_248 = arith.constant 0 : i32
        %dma_wait3A_249 = arith.constant 0 : i32
        %dma_wait3A_250 = tpu.memref_slice %arg4[%add3A_156, %dma_wait3A_248, %dma_wait3A_249] : memref<16384x56x128xf32, #tpu.memory_space<hbm>> -> memref<1x50x64xf32, #tpu.memory_space<hbm>>
        %dma_wait3A_251 = tpu.memref_squeeze %dma_wait3A_250 : memref<1x50x64xf32, #tpu.memory_space<hbm>> -> memref<50x64xf32, #tpu.memory_space<hbm>>
        %dma_wait3A_252 = arith.constant 0 : i32
        %dma_wait3A_253 = arith.constant 0 : i32
        %dma_wait3A_254 = tpu.memref_slice %arg10[%dma_wait3A_252, %dma_wait3A_253] : memref<104x64xf32, #tpu.memory_space<vmem>> -> memref<50x64xf32, #tpu.memory_space<vmem>>
        tpu.wait_dma2 semaphore(%run_scoped3A : memref<!tpu.dma_semaphore, #tpu.memory_space<semaphore_mem>>) src(%dma_wait3A_254 : memref<50x64xf32, #tpu.memory_space<vmem>>) dst(%dma_wait3A_251 : memref<50x64xf32, #tpu.memory_space<hbm>>)
        tpu.yield
      }) : () -> ()
      %add3A_157 = arith.constant 1 : i32
      %add3A_158 = arith.addi %add3A_156, %add3A_157 : i32
      "tpu.region"() ({
        %run_scoped3A = tpu.sem_alloc : memref<!tpu.dma_semaphore, #tpu.memory_space<semaphore_mem>>
        %dma_start3A_227 = arith.constant 52 : i32
        %dma_start3A_228 = arith.constant 0 : i32
        %dma_start3A_229 = tpu.memref_slice %arg10[%dma_start3A_227, %dma_start3A_228] : memref<104x64xf32, #tpu.memory_space<vmem>> -> memref<50x64xf32, #tpu.memory_space<vmem>>
        %dma_start3A_230 = arith.constant 0 : i32
        %dma_start3A_231 = arith.constant 0 : i32
        %dma_start3A_232 = tpu.memref_slice %arg4[%add3A_158, %dma_start3A_230, %dma_start3A_231] : memref<16384x56x128xf32, #tpu.memory_space<hbm>> -> memref<1x50x64xf32, #tpu.memory_space<hbm>>
        %dma_start3A_233 = tpu.memref_squeeze %dma_start3A_232 : memref<1x50x64xf32, #tpu.memory_space<hbm>> -> memref<50x64xf32, #tpu.memory_space<hbm>>
        %dma_start3A_234 = arith.constant 0 : i32
        %dma_start3A_235 = arith.constant 0 : i32
        %dma_start3A_236 = tpu.memref_slice %arg4[%add3A_158, %dma_start3A_234, %dma_start3A_235] : memref<16384x56x128xf32, #tpu.memory_space<hbm>> -> memref<1x50x64xf32, #tpu.memory_space<hbm>>
        %dma_start3A_237 = tpu.memref_squeeze %dma_start3A_236 : memref<1x50x64xf32, #tpu.memory_space<hbm>> -> memref<50x64xf32, #tpu.memory_space<hbm>>
        %dma_start3A_238 = arith.constant 52 : i32
        %dma_start3A_239 = arith.constant 0 : i32
        %dma_start3A_240 = tpu.memref_slice %arg10[%dma_start3A_238, %dma_start3A_239] : memref<104x64xf32, #tpu.memory_space<vmem>> -> memref<50x64xf32, #tpu.memory_space<vmem>>
        tpu.enqueue_dma source(%dma_start3A_240 : memref<50x64xf32, #tpu.memory_space<vmem>>) target(%dma_start3A_237 : memref<50x64xf32, #tpu.memory_space<hbm>>) target_semaphore(%run_scoped3A : memref<!tpu.dma_semaphore, #tpu.memory_space<semaphore_mem>>)
        %dma_wait3A_241 = arith.constant 52 : i32
        %dma_wait3A_242 = arith.constant 0 : i32
        %dma_wait3A_243 = tpu.memref_slice %arg10[%dma_wait3A_241, %dma_wait3A_242] : memref<104x64xf32, #tpu.memory_space<vmem>> -> memref<50x64xf32, #tpu.memory_space<vmem>>
        %dma_wait3A_244 = arith.constant 0 : i32
        %dma_wait3A_245 = arith.constant 0 : i32
        %dma_wait3A_246 = tpu.memref_slice %arg4[%add3A_158, %dma_wait3A_244, %dma_wait3A_245] : memref<16384x56x128xf32, #tpu.memory_space<hbm>> -> memref<1x50x64xf32, #tpu.memory_space<hbm>>
        %dma_wait3A_247 = tpu.memref_squeeze %dma_wait3A_246 : memref<1x50x64xf32, #tpu.memory_space<hbm>> -> memref<50x64xf32, #tpu.memory_space<hbm>>
        %dma_wait3A_248 = arith.constant 0 : i32
        %dma_wait3A_249 = arith.constant 0 : i32
        %dma_wait3A_250 = tpu.memref_slice %arg4[%add3A_158, %dma_wait3A_248, %dma_wait3A_249] : memref<16384x56x128xf32, #tpu.memory_space<hbm>> -> memref<1x50x64xf32, #tpu.memory_space<hbm>>
        %dma_wait3A_251 = tpu.memref_squeeze %dma_wait3A_250 : memref<1x50x64xf32, #tpu.memory_space<hbm>> -> memref<50x64xf32, #tpu.memory_space<hbm>>
        %dma_wait3A_252 = arith.constant 52 : i32
        %dma_wait3A_253 = arith.constant 0 : i32
        %dma_wait3A_254 = tpu.memref_slice %arg10[%dma_wait3A_252, %dma_wait3A_253] : memref<104x64xf32, #tpu.memory_space<vmem>> -> memref<50x64xf32, #tpu.memory_space<vmem>>
        tpu.wait_dma2 semaphore(%run_scoped3A : memref<!tpu.dma_semaphore, #tpu.memory_space<semaphore_mem>>) src(%dma_wait3A_254 : memref<50x64xf32, #tpu.memory_space<vmem>>) dst(%dma_wait3A_251 : memref<50x64xf32, #tpu.memory_space<hbm>>)
        tpu.yield
      }) : () -> ()
      %add3A_159 = arith.constant 8 : i32
      %add3A_160 = arith.addi %add3A_147, %add3A_159 : i32
      %lt3A_161 = arith.constant 256 : i32
      %lt3A_162 = arith.cmpi slt, %add3A_160, %lt3A_161 : i32
      %convert_element_type3A_163 = arith.extui %lt3A_162 : i1 to i32
      %cond3A_164 = arith.constant 0 : i32
      %cond3A_165 = arith.cmpi ne, %convert_element_type3A_163, %cond3A_164 : i32
      scf.if %cond3A_165 {
        %add3A_227 = arith.constant 8 : i32
        %add3A_228 = arith.addi %add3A_147, %add3A_227 : i32
        %dma_start3A_229 = arith.constant 0 : i32
        %dma_start3A_230 = tpu.memref_slice %arg5[%add3A_228, %dma_start3A_229] : memref<256x104xi32, #tpu.memory_space<vmem>> -> memref<1x104xi32, #tpu.memory_space<vmem>>
        %dma_start3A_231 = tpu.memref_squeeze %dma_start3A_230 : memref<1x104xi32, #tpu.memory_space<vmem>> -> memref<104xi32, #tpu.memory_space<vmem>>
        %dma_start3A_232 = arith.constant 0 : i32
        %dma_start3A_233 = arith.constant 0 : i32
        %dma_start3A_234 = tpu.memref_slice %arg3[%dma_start3A_232, %dma_start3A_233] : memref<1000000x64xf32, #tpu.memory_space<hbm>> -> memref<1000000x64xf32, #tpu.memory_space<hbm>>
        tpu.enqueue_indirect_dma source(%dma_start3A_234 : memref<1000000x64xf32, #tpu.memory_space<hbm>>) target(%arg10 : memref<104x64xf32, #tpu.memory_space<vmem>>) offsets(%dma_start3A_231 : memref<104xi32, #tpu.memory_space<vmem>>) semaphore(%arg18 : memref<!tpu.dma_semaphore, #tpu.memory_space<semaphore_mem>>)
      } else {
      }
      %add3A_166 = arith.constant 5 : i32
      %add3A_167 = arith.addi %mul3A_69, %add3A_166 : i32
      %dma_wait3A_168 = arith.constant 0 : i32
      %dma_wait3A_169 = tpu.memref_slice %arg5[%add3A_167, %dma_wait3A_168] : memref<256x104xi32, #tpu.memory_space<vmem>> -> memref<1x104xi32, #tpu.memory_space<vmem>>
      %dma_wait3A_170 = tpu.memref_squeeze %dma_wait3A_169 : memref<1x104xi32, #tpu.memory_space<vmem>> -> memref<104xi32, #tpu.memory_space<vmem>>
      %dma_wait3A_171 = arith.constant 0 : i32
      %dma_wait3A_172 = arith.constant 0 : i32
      %dma_wait3A_173 = tpu.memref_slice %arg3[%dma_wait3A_171, %dma_wait3A_172] : memref<1000000x64xf32, #tpu.memory_space<hbm>> -> memref<1000000x64xf32, #tpu.memory_space<hbm>>
      tpu.wait_indirect_dma semaphore(%arg19 : memref<!tpu.dma_semaphore, #tpu.memory_space<semaphore_mem>>) src(%dma_wait3A_173 : memref<1000000x64xf32, #tpu.memory_space<hbm>>) dst(%arg11 : memref<104x64xf32, #tpu.memory_space<vmem>>)
      %mul3A_174 = arith.constant 2 : i32
      %mul3A_175 = arith.muli %mul3A_174, %add3A_167 : i32
      %add3A_176 = arith.addi %mul3A_2, %mul3A_175 : i32
      "tpu.region"() ({
        %run_scoped3A = tpu.sem_alloc : memref<!tpu.dma_semaphore, #tpu.memory_space<semaphore_mem>>
        %dma_start3A_227 = arith.constant 0 : i32
        %dma_start3A_228 = arith.constant 0 : i32
        %dma_start3A_229 = tpu.memref_slice %arg11[%dma_start3A_227, %dma_start3A_228] : memref<104x64xf32, #tpu.memory_space<vmem>> -> memref<50x64xf32, #tpu.memory_space<vmem>>
        %dma_start3A_230 = arith.constant 0 : i32
        %dma_start3A_231 = arith.constant 0 : i32
        %dma_start3A_232 = tpu.memref_slice %arg4[%add3A_176, %dma_start3A_230, %dma_start3A_231] : memref<16384x56x128xf32, #tpu.memory_space<hbm>> -> memref<1x50x64xf32, #tpu.memory_space<hbm>>
        %dma_start3A_233 = tpu.memref_squeeze %dma_start3A_232 : memref<1x50x64xf32, #tpu.memory_space<hbm>> -> memref<50x64xf32, #tpu.memory_space<hbm>>
        %dma_start3A_234 = arith.constant 0 : i32
        %dma_start3A_235 = arith.constant 0 : i32
        %dma_start3A_236 = tpu.memref_slice %arg4[%add3A_176, %dma_start3A_234, %dma_start3A_235] : memref<16384x56x128xf32, #tpu.memory_space<hbm>> -> memref<1x50x64xf32, #tpu.memory_space<hbm>>
        %dma_start3A_237 = tpu.memref_squeeze %dma_start3A_236 : memref<1x50x64xf32, #tpu.memory_space<hbm>> -> memref<50x64xf32, #tpu.memory_space<hbm>>
        %dma_start3A_238 = arith.constant 0 : i32
        %dma_start3A_239 = arith.constant 0 : i32
        %dma_start3A_240 = tpu.memref_slice %arg11[%dma_start3A_238, %dma_start3A_239] : memref<104x64xf32, #tpu.memory_space<vmem>> -> memref<50x64xf32, #tpu.memory_space<vmem>>
        tpu.enqueue_dma source(%dma_start3A_240 : memref<50x64xf32, #tpu.memory_space<vmem>>) target(%dma_start3A_237 : memref<50x64xf32, #tpu.memory_space<hbm>>) target_semaphore(%run_scoped3A : memref<!tpu.dma_semaphore, #tpu.memory_space<semaphore_mem>>)
        %dma_wait3A_241 = arith.constant 0 : i32
        %dma_wait3A_242 = arith.constant 0 : i32
        %dma_wait3A_243 = tpu.memref_slice %arg11[%dma_wait3A_241, %dma_wait3A_242] : memref<104x64xf32, #tpu.memory_space<vmem>> -> memref<50x64xf32, #tpu.memory_space<vmem>>
        %dma_wait3A_244 = arith.constant 0 : i32
        %dma_wait3A_245 = arith.constant 0 : i32
        %dma_wait3A_246 = tpu.memref_slice %arg4[%add3A_176, %dma_wait3A_244, %dma_wait3A_245] : memref<16384x56x128xf32, #tpu.memory_space<hbm>> -> memref<1x50x64xf32, #tpu.memory_space<hbm>>
        %dma_wait3A_247 = tpu.memref_squeeze %dma_wait3A_246 : memref<1x50x64xf32, #tpu.memory_space<hbm>> -> memref<50x64xf32, #tpu.memory_space<hbm>>
        %dma_wait3A_248 = arith.constant 0 : i32
        %dma_wait3A_249 = arith.constant 0 : i32
        %dma_wait3A_250 = tpu.memref_slice %arg4[%add3A_176, %dma_wait3A_248, %dma_wait3A_249] : memref<16384x56x128xf32, #tpu.memory_space<hbm>> -> memref<1x50x64xf32, #tpu.memory_space<hbm>>
        %dma_wait3A_251 = tpu.memref_squeeze %dma_wait3A_250 : memref<1x50x64xf32, #tpu.memory_space<hbm>> -> memref<50x64xf32, #tpu.memory_space<hbm>>
        %dma_wait3A_252 = arith.constant 0 : i32
        %dma_wait3A_253 = arith.constant 0 : i32
        %dma_wait3A_254 = tpu.memref_slice %arg11[%dma_wait3A_252, %dma_wait3A_253] : memref<104x64xf32, #tpu.memory_space<vmem>> -> memref<50x64xf32, #tpu.memory_space<vmem>>
        tpu.wait_dma2 semaphore(%run_scoped3A : memref<!tpu.dma_semaphore, #tpu.memory_space<semaphore_mem>>) src(%dma_wait3A_254 : memref<50x64xf32, #tpu.memory_space<vmem>>) dst(%dma_wait3A_251 : memref<50x64xf32, #tpu.memory_space<hbm>>)
        tpu.yield
      }) : () -> ()
      %add3A_177 = arith.constant 1 : i32
      %add3A_178 = arith.addi %add3A_176, %add3A_177 : i32
      "tpu.region"() ({
        %run_scoped3A = tpu.sem_alloc : memref<!tpu.dma_semaphore, #tpu.memory_space<semaphore_mem>>
        %dma_start3A_227 = arith.constant 52 : i32
        %dma_start3A_228 = arith.constant 0 : i32
        %dma_start3A_229 = tpu.memref_slice %arg11[%dma_start3A_227, %dma_start3A_228] : memref<104x64xf32, #tpu.memory_space<vmem>> -> memref<50x64xf32, #tpu.memory_space<vmem>>
        %dma_start3A_230 = arith.constant 0 : i32
        %dma_start3A_231 = arith.constant 0 : i32
        %dma_start3A_232 = tpu.memref_slice %arg4[%add3A_178, %dma_start3A_230, %dma_start3A_231] : memref<16384x56x128xf32, #tpu.memory_space<hbm>> -> memref<1x50x64xf32, #tpu.memory_space<hbm>>
        %dma_start3A_233 = tpu.memref_squeeze %dma_start3A_232 : memref<1x50x64xf32, #tpu.memory_space<hbm>> -> memref<50x64xf32, #tpu.memory_space<hbm>>
        %dma_start3A_234 = arith.constant 0 : i32
        %dma_start3A_235 = arith.constant 0 : i32
        %dma_start3A_236 = tpu.memref_slice %arg4[%add3A_178, %dma_start3A_234, %dma_start3A_235] : memref<16384x56x128xf32, #tpu.memory_space<hbm>> -> memref<1x50x64xf32, #tpu.memory_space<hbm>>
        %dma_start3A_237 = tpu.memref_squeeze %dma_start3A_236 : memref<1x50x64xf32, #tpu.memory_space<hbm>> -> memref<50x64xf32, #tpu.memory_space<hbm>>
        %dma_start3A_238 = arith.constant 52 : i32
        %dma_start3A_239 = arith.constant 0 : i32
        %dma_start3A_240 = tpu.memref_slice %arg11[%dma_start3A_238, %dma_start3A_239] : memref<104x64xf32, #tpu.memory_space<vmem>> -> memref<50x64xf32, #tpu.memory_space<vmem>>
        tpu.enqueue_dma source(%dma_start3A_240 : memref<50x64xf32, #tpu.memory_space<vmem>>) target(%dma_start3A_237 : memref<50x64xf32, #tpu.memory_space<hbm>>) target_semaphore(%run_scoped3A : memref<!tpu.dma_semaphore, #tpu.memory_space<semaphore_mem>>)
        %dma_wait3A_241 = arith.constant 52 : i32
        %dma_wait3A_242 = arith.constant 0 : i32
        %dma_wait3A_243 = tpu.memref_slice %arg11[%dma_wait3A_241, %dma_wait3A_242] : memref<104x64xf32, #tpu.memory_space<vmem>> -> memref<50x64xf32, #tpu.memory_space<vmem>>
        %dma_wait3A_244 = arith.constant 0 : i32
        %dma_wait3A_245 = arith.constant 0 : i32
        %dma_wait3A_246 = tpu.memref_slice %arg4[%add3A_178, %dma_wait3A_244, %dma_wait3A_245] : memref<16384x56x128xf32, #tpu.memory_space<hbm>> -> memref<1x50x64xf32, #tpu.memory_space<hbm>>
        %dma_wait3A_247 = tpu.memref_squeeze %dma_wait3A_246 : memref<1x50x64xf32, #tpu.memory_space<hbm>> -> memref<50x64xf32, #tpu.memory_space<hbm>>
        %dma_wait3A_248 = arith.constant 0 : i32
        %dma_wait3A_249 = arith.constant 0 : i32
        %dma_wait3A_250 = tpu.memref_slice %arg4[%add3A_178, %dma_wait3A_248, %dma_wait3A_249] : memref<16384x56x128xf32, #tpu.memory_space<hbm>> -> memref<1x50x64xf32, #tpu.memory_space<hbm>>
        %dma_wait3A_251 = tpu.memref_squeeze %dma_wait3A_250 : memref<1x50x64xf32, #tpu.memory_space<hbm>> -> memref<50x64xf32, #tpu.memory_space<hbm>>
        %dma_wait3A_252 = arith.constant 52 : i32
        %dma_wait3A_253 = arith.constant 0 : i32
        %dma_wait3A_254 = tpu.memref_slice %arg11[%dma_wait3A_252, %dma_wait3A_253] : memref<104x64xf32, #tpu.memory_space<vmem>> -> memref<50x64xf32, #tpu.memory_space<vmem>>
        tpu.wait_dma2 semaphore(%run_scoped3A : memref<!tpu.dma_semaphore, #tpu.memory_space<semaphore_mem>>) src(%dma_wait3A_254 : memref<50x64xf32, #tpu.memory_space<vmem>>) dst(%dma_wait3A_251 : memref<50x64xf32, #tpu.memory_space<hbm>>)
        tpu.yield
      }) : () -> ()
      %add3A_179 = arith.constant 8 : i32
      %add3A_180 = arith.addi %add3A_167, %add3A_179 : i32
      %lt3A_181 = arith.constant 256 : i32
      %lt3A_182 = arith.cmpi slt, %add3A_180, %lt3A_181 : i32
      %convert_element_type3A_183 = arith.extui %lt3A_182 : i1 to i32
      %cond3A_184 = arith.constant 0 : i32
      %cond3A_185 = arith.cmpi ne, %convert_element_type3A_183, %cond3A_184 : i32
      scf.if %cond3A_185 {
        %add3A_227 = arith.constant 8 : i32
        %add3A_228 = arith.addi %add3A_167, %add3A_227 : i32
        %dma_start3A_229 = arith.constant 0 : i32
        %dma_start3A_230 = tpu.memref_slice %arg5[%add3A_228, %dma_start3A_229] : memref<256x104xi32, #tpu.memory_space<vmem>> -> memref<1x104xi32, #tpu.memory_space<vmem>>
        %dma_start3A_231 = tpu.memref_squeeze %dma_start3A_230 : memref<1x104xi32, #tpu.memory_space<vmem>> -> memref<104xi32, #tpu.memory_space<vmem>>
        %dma_start3A_232 = arith.constant 0 : i32
        %dma_start3A_233 = arith.constant 0 : i32
        %dma_start3A_234 = tpu.memref_slice %arg3[%dma_start3A_232, %dma_start3A_233] : memref<1000000x64xf32, #tpu.memory_space<hbm>> -> memref<1000000x64xf32, #tpu.memory_space<hbm>>
        tpu.enqueue_indirect_dma source(%dma_start3A_234 : memref<1000000x64xf32, #tpu.memory_space<hbm>>) target(%arg11 : memref<104x64xf32, #tpu.memory_space<vmem>>) offsets(%dma_start3A_231 : memref<104xi32, #tpu.memory_space<vmem>>) semaphore(%arg19 : memref<!tpu.dma_semaphore, #tpu.memory_space<semaphore_mem>>)
      } else {
      }
      %add3A_186 = arith.constant 6 : i32
      %add3A_187 = arith.addi %mul3A_69, %add3A_186 : i32
      %dma_wait3A_188 = arith.constant 0 : i32
      %dma_wait3A_189 = tpu.memref_slice %arg5[%add3A_187, %dma_wait3A_188] : memref<256x104xi32, #tpu.memory_space<vmem>> -> memref<1x104xi32, #tpu.memory_space<vmem>>
      %dma_wait3A_190 = tpu.memref_squeeze %dma_wait3A_189 : memref<1x104xi32, #tpu.memory_space<vmem>> -> memref<104xi32, #tpu.memory_space<vmem>>
      %dma_wait3A_191 = arith.constant 0 : i32
      %dma_wait3A_192 = arith.constant 0 : i32
      %dma_wait3A_193 = tpu.memref_slice %arg3[%dma_wait3A_191, %dma_wait3A_192] : memref<1000000x64xf32, #tpu.memory_space<hbm>> -> memref<1000000x64xf32, #tpu.memory_space<hbm>>
      tpu.wait_indirect_dma semaphore(%arg20 : memref<!tpu.dma_semaphore, #tpu.memory_space<semaphore_mem>>) src(%dma_wait3A_193 : memref<1000000x64xf32, #tpu.memory_space<hbm>>) dst(%arg12 : memref<104x64xf32, #tpu.memory_space<vmem>>)
      %mul3A_194 = arith.constant 2 : i32
      %mul3A_195 = arith.muli %mul3A_194, %add3A_187 : i32
      %add3A_196 = arith.addi %mul3A_2, %mul3A_195 : i32
      "tpu.region"() ({
        %run_scoped3A = tpu.sem_alloc : memref<!tpu.dma_semaphore, #tpu.memory_space<semaphore_mem>>
        %dma_start3A_227 = arith.constant 0 : i32
        %dma_start3A_228 = arith.constant 0 : i32
        %dma_start3A_229 = tpu.memref_slice %arg12[%dma_start3A_227, %dma_start3A_228] : memref<104x64xf32, #tpu.memory_space<vmem>> -> memref<50x64xf32, #tpu.memory_space<vmem>>
        %dma_start3A_230 = arith.constant 0 : i32
        %dma_start3A_231 = arith.constant 0 : i32
        %dma_start3A_232 = tpu.memref_slice %arg4[%add3A_196, %dma_start3A_230, %dma_start3A_231] : memref<16384x56x128xf32, #tpu.memory_space<hbm>> -> memref<1x50x64xf32, #tpu.memory_space<hbm>>
        %dma_start3A_233 = tpu.memref_squeeze %dma_start3A_232 : memref<1x50x64xf32, #tpu.memory_space<hbm>> -> memref<50x64xf32, #tpu.memory_space<hbm>>
        %dma_start3A_234 = arith.constant 0 : i32
        %dma_start3A_235 = arith.constant 0 : i32
        %dma_start3A_236 = tpu.memref_slice %arg4[%add3A_196, %dma_start3A_234, %dma_start3A_235] : memref<16384x56x128xf32, #tpu.memory_space<hbm>> -> memref<1x50x64xf32, #tpu.memory_space<hbm>>
        %dma_start3A_237 = tpu.memref_squeeze %dma_start3A_236 : memref<1x50x64xf32, #tpu.memory_space<hbm>> -> memref<50x64xf32, #tpu.memory_space<hbm>>
        %dma_start3A_238 = arith.constant 0 : i32
        %dma_start3A_239 = arith.constant 0 : i32
        %dma_start3A_240 = tpu.memref_slice %arg12[%dma_start3A_238, %dma_start3A_239] : memref<104x64xf32, #tpu.memory_space<vmem>> -> memref<50x64xf32, #tpu.memory_space<vmem>>
        tpu.enqueue_dma source(%dma_start3A_240 : memref<50x64xf32, #tpu.memory_space<vmem>>) target(%dma_start3A_237 : memref<50x64xf32, #tpu.memory_space<hbm>>) target_semaphore(%run_scoped3A : memref<!tpu.dma_semaphore, #tpu.memory_space<semaphore_mem>>)
        %dma_wait3A_241 = arith.constant 0 : i32
        %dma_wait3A_242 = arith.constant 0 : i32
        %dma_wait3A_243 = tpu.memref_slice %arg12[%dma_wait3A_241, %dma_wait3A_242] : memref<104x64xf32, #tpu.memory_space<vmem>> -> memref<50x64xf32, #tpu.memory_space<vmem>>
        %dma_wait3A_244 = arith.constant 0 : i32
        %dma_wait3A_245 = arith.constant 0 : i32
        %dma_wait3A_246 = tpu.memref_slice %arg4[%add3A_196, %dma_wait3A_244, %dma_wait3A_245] : memref<16384x56x128xf32, #tpu.memory_space<hbm>> -> memref<1x50x64xf32, #tpu.memory_space<hbm>>
        %dma_wait3A_247 = tpu.memref_squeeze %dma_wait3A_246 : memref<1x50x64xf32, #tpu.memory_space<hbm>> -> memref<50x64xf32, #tpu.memory_space<hbm>>
        %dma_wait3A_248 = arith.constant 0 : i32
        %dma_wait3A_249 = arith.constant 0 : i32
        %dma_wait3A_250 = tpu.memref_slice %arg4[%add3A_196, %dma_wait3A_248, %dma_wait3A_249] : memref<16384x56x128xf32, #tpu.memory_space<hbm>> -> memref<1x50x64xf32, #tpu.memory_space<hbm>>
        %dma_wait3A_251 = tpu.memref_squeeze %dma_wait3A_250 : memref<1x50x64xf32, #tpu.memory_space<hbm>> -> memref<50x64xf32, #tpu.memory_space<hbm>>
        %dma_wait3A_252 = arith.constant 0 : i32
        %dma_wait3A_253 = arith.constant 0 : i32
        %dma_wait3A_254 = tpu.memref_slice %arg12[%dma_wait3A_252, %dma_wait3A_253] : memref<104x64xf32, #tpu.memory_space<vmem>> -> memref<50x64xf32, #tpu.memory_space<vmem>>
        tpu.wait_dma2 semaphore(%run_scoped3A : memref<!tpu.dma_semaphore, #tpu.memory_space<semaphore_mem>>) src(%dma_wait3A_254 : memref<50x64xf32, #tpu.memory_space<vmem>>) dst(%dma_wait3A_251 : memref<50x64xf32, #tpu.memory_space<hbm>>)
        tpu.yield
      }) : () -> ()
      %add3A_197 = arith.constant 1 : i32
      %add3A_198 = arith.addi %add3A_196, %add3A_197 : i32
      "tpu.region"() ({
        %run_scoped3A = tpu.sem_alloc : memref<!tpu.dma_semaphore, #tpu.memory_space<semaphore_mem>>
        %dma_start3A_227 = arith.constant 52 : i32
        %dma_start3A_228 = arith.constant 0 : i32
        %dma_start3A_229 = tpu.memref_slice %arg12[%dma_start3A_227, %dma_start3A_228] : memref<104x64xf32, #tpu.memory_space<vmem>> -> memref<50x64xf32, #tpu.memory_space<vmem>>
        %dma_start3A_230 = arith.constant 0 : i32
        %dma_start3A_231 = arith.constant 0 : i32
        %dma_start3A_232 = tpu.memref_slice %arg4[%add3A_198, %dma_start3A_230, %dma_start3A_231] : memref<16384x56x128xf32, #tpu.memory_space<hbm>> -> memref<1x50x64xf32, #tpu.memory_space<hbm>>
        %dma_start3A_233 = tpu.memref_squeeze %dma_start3A_232 : memref<1x50x64xf32, #tpu.memory_space<hbm>> -> memref<50x64xf32, #tpu.memory_space<hbm>>
        %dma_start3A_234 = arith.constant 0 : i32
        %dma_start3A_235 = arith.constant 0 : i32
        %dma_start3A_236 = tpu.memref_slice %arg4[%add3A_198, %dma_start3A_234, %dma_start3A_235] : memref<16384x56x128xf32, #tpu.memory_space<hbm>> -> memref<1x50x64xf32, #tpu.memory_space<hbm>>
        %dma_start3A_237 = tpu.memref_squeeze %dma_start3A_236 : memref<1x50x64xf32, #tpu.memory_space<hbm>> -> memref<50x64xf32, #tpu.memory_space<hbm>>
        %dma_start3A_238 = arith.constant 52 : i32
        %dma_start3A_239 = arith.constant 0 : i32
        %dma_start3A_240 = tpu.memref_slice %arg12[%dma_start3A_238, %dma_start3A_239] : memref<104x64xf32, #tpu.memory_space<vmem>> -> memref<50x64xf32, #tpu.memory_space<vmem>>
        tpu.enqueue_dma source(%dma_start3A_240 : memref<50x64xf32, #tpu.memory_space<vmem>>) target(%dma_start3A_237 : memref<50x64xf32, #tpu.memory_space<hbm>>) target_semaphore(%run_scoped3A : memref<!tpu.dma_semaphore, #tpu.memory_space<semaphore_mem>>)
        %dma_wait3A_241 = arith.constant 52 : i32
        %dma_wait3A_242 = arith.constant 0 : i32
        %dma_wait3A_243 = tpu.memref_slice %arg12[%dma_wait3A_241, %dma_wait3A_242] : memref<104x64xf32, #tpu.memory_space<vmem>> -> memref<50x64xf32, #tpu.memory_space<vmem>>
        %dma_wait3A_244 = arith.constant 0 : i32
        %dma_wait3A_245 = arith.constant 0 : i32
        %dma_wait3A_246 = tpu.memref_slice %arg4[%add3A_198, %dma_wait3A_244, %dma_wait3A_245] : memref<16384x56x128xf32, #tpu.memory_space<hbm>> -> memref<1x50x64xf32, #tpu.memory_space<hbm>>
        %dma_wait3A_247 = tpu.memref_squeeze %dma_wait3A_246 : memref<1x50x64xf32, #tpu.memory_space<hbm>> -> memref<50x64xf32, #tpu.memory_space<hbm>>
        %dma_wait3A_248 = arith.constant 0 : i32
        %dma_wait3A_249 = arith.constant 0 : i32
        %dma_wait3A_250 = tpu.memref_slice %arg4[%add3A_198, %dma_wait3A_248, %dma_wait3A_249] : memref<16384x56x128xf32, #tpu.memory_space<hbm>> -> memref<1x50x64xf32, #tpu.memory_space<hbm>>
        %dma_wait3A_251 = tpu.memref_squeeze %dma_wait3A_250 : memref<1x50x64xf32, #tpu.memory_space<hbm>> -> memref<50x64xf32, #tpu.memory_space<hbm>>
        %dma_wait3A_252 = arith.constant 52 : i32
        %dma_wait3A_253 = arith.constant 0 : i32
        %dma_wait3A_254 = tpu.memref_slice %arg12[%dma_wait3A_252, %dma_wait3A_253] : memref<104x64xf32, #tpu.memory_space<vmem>> -> memref<50x64xf32, #tpu.memory_space<vmem>>
        tpu.wait_dma2 semaphore(%run_scoped3A : memref<!tpu.dma_semaphore, #tpu.memory_space<semaphore_mem>>) src(%dma_wait3A_254 : memref<50x64xf32, #tpu.memory_space<vmem>>) dst(%dma_wait3A_251 : memref<50x64xf32, #tpu.memory_space<hbm>>)
        tpu.yield
      }) : () -> ()
      %add3A_199 = arith.constant 8 : i32
      %add3A_200 = arith.addi %add3A_187, %add3A_199 : i32
      %lt3A_201 = arith.constant 256 : i32
      %lt3A_202 = arith.cmpi slt, %add3A_200, %lt3A_201 : i32
      %convert_element_type3A_203 = arith.extui %lt3A_202 : i1 to i32
      %cond3A_204 = arith.constant 0 : i32
      %cond3A_205 = arith.cmpi ne, %convert_element_type3A_203, %cond3A_204 : i32
      scf.if %cond3A_205 {
        %add3A_227 = arith.constant 8 : i32
        %add3A_228 = arith.addi %add3A_187, %add3A_227 : i32
        %dma_start3A_229 = arith.constant 0 : i32
        %dma_start3A_230 = tpu.memref_slice %arg5[%add3A_228, %dma_start3A_229] : memref<256x104xi32, #tpu.memory_space<vmem>> -> memref<1x104xi32, #tpu.memory_space<vmem>>
        %dma_start3A_231 = tpu.memref_squeeze %dma_start3A_230 : memref<1x104xi32, #tpu.memory_space<vmem>> -> memref<104xi32, #tpu.memory_space<vmem>>
        %dma_start3A_232 = arith.constant 0 : i32
        %dma_start3A_233 = arith.constant 0 : i32
        %dma_start3A_234 = tpu.memref_slice %arg3[%dma_start3A_232, %dma_start3A_233] : memref<1000000x64xf32, #tpu.memory_space<hbm>> -> memref<1000000x64xf32, #tpu.memory_space<hbm>>
        tpu.enqueue_indirect_dma source(%dma_start3A_234 : memref<1000000x64xf32, #tpu.memory_space<hbm>>) target(%arg12 : memref<104x64xf32, #tpu.memory_space<vmem>>) offsets(%dma_start3A_231 : memref<104xi32, #tpu.memory_space<vmem>>) semaphore(%arg20 : memref<!tpu.dma_semaphore, #tpu.memory_space<semaphore_mem>>)
      } else {
      }
      %add3A_206 = arith.constant 7 : i32
      %add3A_207 = arith.addi %mul3A_69, %add3A_206 : i32
      %dma_wait3A_208 = arith.constant 0 : i32
      %dma_wait3A_209 = tpu.memref_slice %arg5[%add3A_207, %dma_wait3A_208] : memref<256x104xi32, #tpu.memory_space<vmem>> -> memref<1x104xi32, #tpu.memory_space<vmem>>
      %dma_wait3A_210 = tpu.memref_squeeze %dma_wait3A_209 : memref<1x104xi32, #tpu.memory_space<vmem>> -> memref<104xi32, #tpu.memory_space<vmem>>
      %dma_wait3A_211 = arith.constant 0 : i32
      %dma_wait3A_212 = arith.constant 0 : i32
      %dma_wait3A_213 = tpu.memref_slice %arg3[%dma_wait3A_211, %dma_wait3A_212] : memref<1000000x64xf32, #tpu.memory_space<hbm>> -> memref<1000000x64xf32, #tpu.memory_space<hbm>>
      tpu.wait_indirect_dma semaphore(%arg21 : memref<!tpu.dma_semaphore, #tpu.memory_space<semaphore_mem>>) src(%dma_wait3A_213 : memref<1000000x64xf32, #tpu.memory_space<hbm>>) dst(%arg13 : memref<104x64xf32, #tpu.memory_space<vmem>>)
      %mul3A_214 = arith.constant 2 : i32
      %mul3A_215 = arith.muli %mul3A_214, %add3A_207 : i32
      %add3A_216 = arith.addi %mul3A_2, %mul3A_215 : i32
      "tpu.region"() ({
        %run_scoped3A = tpu.sem_alloc : memref<!tpu.dma_semaphore, #tpu.memory_space<semaphore_mem>>
        %dma_start3A_227 = arith.constant 0 : i32
        %dma_start3A_228 = arith.constant 0 : i32
        %dma_start3A_229 = tpu.memref_slice %arg13[%dma_start3A_227, %dma_start3A_228] : memref<104x64xf32, #tpu.memory_space<vmem>> -> memref<50x64xf32, #tpu.memory_space<vmem>>
        %dma_start3A_230 = arith.constant 0 : i32
        %dma_start3A_231 = arith.constant 0 : i32
        %dma_start3A_232 = tpu.memref_slice %arg4[%add3A_216, %dma_start3A_230, %dma_start3A_231] : memref<16384x56x128xf32, #tpu.memory_space<hbm>> -> memref<1x50x64xf32, #tpu.memory_space<hbm>>
        %dma_start3A_233 = tpu.memref_squeeze %dma_start3A_232 : memref<1x50x64xf32, #tpu.memory_space<hbm>> -> memref<50x64xf32, #tpu.memory_space<hbm>>
        %dma_start3A_234 = arith.constant 0 : i32
        %dma_start3A_235 = arith.constant 0 : i32
        %dma_start3A_236 = tpu.memref_slice %arg4[%add3A_216, %dma_start3A_234, %dma_start3A_235] : memref<16384x56x128xf32, #tpu.memory_space<hbm>> -> memref<1x50x64xf32, #tpu.memory_space<hbm>>
        %dma_start3A_237 = tpu.memref_squeeze %dma_start3A_236 : memref<1x50x64xf32, #tpu.memory_space<hbm>> -> memref<50x64xf32, #tpu.memory_space<hbm>>
        %dma_start3A_238 = arith.constant 0 : i32
        %dma_start3A_239 = arith.constant 0 : i32
        %dma_start3A_240 = tpu.memref_slice %arg13[%dma_start3A_238, %dma_start3A_239] : memref<104x64xf32, #tpu.memory_space<vmem>> -> memref<50x64xf32, #tpu.memory_space<vmem>>
        tpu.enqueue_dma source(%dma_start3A_240 : memref<50x64xf32, #tpu.memory_space<vmem>>) target(%dma_start3A_237 : memref<50x64xf32, #tpu.memory_space<hbm>>) target_semaphore(%run_scoped3A : memref<!tpu.dma_semaphore, #tpu.memory_space<semaphore_mem>>)
        %dma_wait3A_241 = arith.constant 0 : i32
        %dma_wait3A_242 = arith.constant 0 : i32
        %dma_wait3A_243 = tpu.memref_slice %arg13[%dma_wait3A_241, %dma_wait3A_242] : memref<104x64xf32, #tpu.memory_space<vmem>> -> memref<50x64xf32, #tpu.memory_space<vmem>>
        %dma_wait3A_244 = arith.constant 0 : i32
        %dma_wait3A_245 = arith.constant 0 : i32
        %dma_wait3A_246 = tpu.memref_slice %arg4[%add3A_216, %dma_wait3A_244, %dma_wait3A_245] : memref<16384x56x128xf32, #tpu.memory_space<hbm>> -> memref<1x50x64xf32, #tpu.memory_space<hbm>>
        %dma_wait3A_247 = tpu.memref_squeeze %dma_wait3A_246 : memref<1x50x64xf32, #tpu.memory_space<hbm>> -> memref<50x64xf32, #tpu.memory_space<hbm>>
        %dma_wait3A_248 = arith.constant 0 : i32
        %dma_wait3A_249 = arith.constant 0 : i32
        %dma_wait3A_250 = tpu.memref_slice %arg4[%add3A_216, %dma_wait3A_248, %dma_wait3A_249] : memref<16384x56x128xf32, #tpu.memory_space<hbm>> -> memref<1x50x64xf32, #tpu.memory_space<hbm>>
        %dma_wait3A_251 = tpu.memref_squeeze %dma_wait3A_250 : memref<1x50x64xf32, #tpu.memory_space<hbm>> -> memref<50x64xf32, #tpu.memory_space<hbm>>
        %dma_wait3A_252 = arith.constant 0 : i32
        %dma_wait3A_253 = arith.constant 0 : i32
        %dma_wait3A_254 = tpu.memref_slice %arg13[%dma_wait3A_252, %dma_wait3A_253] : memref<104x64xf32, #tpu.memory_space<vmem>> -> memref<50x64xf32, #tpu.memory_space<vmem>>
        tpu.wait_dma2 semaphore(%run_scoped3A : memref<!tpu.dma_semaphore, #tpu.memory_space<semaphore_mem>>) src(%dma_wait3A_254 : memref<50x64xf32, #tpu.memory_space<vmem>>) dst(%dma_wait3A_251 : memref<50x64xf32, #tpu.memory_space<hbm>>)
        tpu.yield
      }) : () -> ()
      %add3A_217 = arith.constant 1 : i32
      %add3A_218 = arith.addi %add3A_216, %add3A_217 : i32
      "tpu.region"() ({
        %run_scoped3A = tpu.sem_alloc : memref<!tpu.dma_semaphore, #tpu.memory_space<semaphore_mem>>
        %dma_start3A_227 = arith.constant 52 : i32
        %dma_start3A_228 = arith.constant 0 : i32
        %dma_start3A_229 = tpu.memref_slice %arg13[%dma_start3A_227, %dma_start3A_228] : memref<104x64xf32, #tpu.memory_space<vmem>> -> memref<50x64xf32, #tpu.memory_space<vmem>>
        %dma_start3A_230 = arith.constant 0 : i32
        %dma_start3A_231 = arith.constant 0 : i32
        %dma_start3A_232 = tpu.memref_slice %arg4[%add3A_218, %dma_start3A_230, %dma_start3A_231] : memref<16384x56x128xf32, #tpu.memory_space<hbm>> -> memref<1x50x64xf32, #tpu.memory_space<hbm>>
        %dma_start3A_233 = tpu.memref_squeeze %dma_start3A_232 : memref<1x50x64xf32, #tpu.memory_space<hbm>> -> memref<50x64xf32, #tpu.memory_space<hbm>>
        %dma_start3A_234 = arith.constant 0 : i32
        %dma_start3A_235 = arith.constant 0 : i32
        %dma_start3A_236 = tpu.memref_slice %arg4[%add3A_218, %dma_start3A_234, %dma_start3A_235] : memref<16384x56x128xf32, #tpu.memory_space<hbm>> -> memref<1x50x64xf32, #tpu.memory_space<hbm>>
        %dma_start3A_237 = tpu.memref_squeeze %dma_start3A_236 : memref<1x50x64xf32, #tpu.memory_space<hbm>> -> memref<50x64xf32, #tpu.memory_space<hbm>>
        %dma_start3A_238 = arith.constant 52 : i32
        %dma_start3A_239 = arith.constant 0 : i32
        %dma_start3A_240 = tpu.memref_slice %arg13[%dma_start3A_238, %dma_start3A_239] : memref<104x64xf32, #tpu.memory_space<vmem>> -> memref<50x64xf32, #tpu.memory_space<vmem>>
        tpu.enqueue_dma source(%dma_start3A_240 : memref<50x64xf32, #tpu.memory_space<vmem>>) target(%dma_start3A_237 : memref<50x64xf32, #tpu.memory_space<hbm>>) target_semaphore(%run_scoped3A : memref<!tpu.dma_semaphore, #tpu.memory_space<semaphore_mem>>)
        %dma_wait3A_241 = arith.constant 52 : i32
        %dma_wait3A_242 = arith.constant 0 : i32
        %dma_wait3A_243 = tpu.memref_slice %arg13[%dma_wait3A_241, %dma_wait3A_242] : memref<104x64xf32, #tpu.memory_space<vmem>> -> memref<50x64xf32, #tpu.memory_space<vmem>>
        %dma_wait3A_244 = arith.constant 0 : i32
        %dma_wait3A_245 = arith.constant 0 : i32
        %dma_wait3A_246 = tpu.memref_slice %arg4[%add3A_218, %dma_wait3A_244, %dma_wait3A_245] : memref<16384x56x128xf32, #tpu.memory_space<hbm>> -> memref<1x50x64xf32, #tpu.memory_space<hbm>>
        %dma_wait3A_247 = tpu.memref_squeeze %dma_wait3A_246 : memref<1x50x64xf32, #tpu.memory_space<hbm>> -> memref<50x64xf32, #tpu.memory_space<hbm>>
        %dma_wait3A_248 = arith.constant 0 : i32
        %dma_wait3A_249 = arith.constant 0 : i32
        %dma_wait3A_250 = tpu.memref_slice %arg4[%add3A_218, %dma_wait3A_248, %dma_wait3A_249] : memref<16384x56x128xf32, #tpu.memory_space<hbm>> -> memref<1x50x64xf32, #tpu.memory_space<hbm>>
        %dma_wait3A_251 = tpu.memref_squeeze %dma_wait3A_250 : memref<1x50x64xf32, #tpu.memory_space<hbm>> -> memref<50x64xf32, #tpu.memory_space<hbm>>
        %dma_wait3A_252 = arith.constant 52 : i32
        %dma_wait3A_253 = arith.constant 0 : i32
        %dma_wait3A_254 = tpu.memref_slice %arg13[%dma_wait3A_252, %dma_wait3A_253] : memref<104x64xf32, #tpu.memory_space<vmem>> -> memref<50x64xf32, #tpu.memory_space<vmem>>
        tpu.wait_dma2 semaphore(%run_scoped3A : memref<!tpu.dma_semaphore, #tpu.memory_space<semaphore_mem>>) src(%dma_wait3A_254 : memref<50x64xf32, #tpu.memory_space<vmem>>) dst(%dma_wait3A_251 : memref<50x64xf32, #tpu.memory_space<hbm>>)
        tpu.yield
      }) : () -> ()
      %add3A_219 = arith.constant 8 : i32
      %add3A_220 = arith.addi %add3A_207, %add3A_219 : i32
      %lt3A_221 = arith.constant 256 : i32
      %lt3A_222 = arith.cmpi slt, %add3A_220, %lt3A_221 : i32
      %convert_element_type3A_223 = arith.extui %lt3A_222 : i1 to i32
      %cond3A_224 = arith.constant 0 : i32
      %cond3A_225 = arith.cmpi ne, %convert_element_type3A_223, %cond3A_224 : i32
      scf.if %cond3A_225 {
        %add3A_227 = arith.constant 8 : i32
        %add3A_228 = arith.addi %add3A_207, %add3A_227 : i32
        %dma_start3A_229 = arith.constant 0 : i32
        %dma_start3A_230 = tpu.memref_slice %arg5[%add3A_228, %dma_start3A_229] : memref<256x104xi32, #tpu.memory_space<vmem>> -> memref<1x104xi32, #tpu.memory_space<vmem>>
        %dma_start3A_231 = tpu.memref_squeeze %dma_start3A_230 : memref<1x104xi32, #tpu.memory_space<vmem>> -> memref<104xi32, #tpu.memory_space<vmem>>
        %dma_start3A_232 = arith.constant 0 : i32
        %dma_start3A_233 = arith.constant 0 : i32
        %dma_start3A_234 = tpu.memref_slice %arg3[%dma_start3A_232, %dma_start3A_233] : memref<1000000x64xf32, #tpu.memory_space<hbm>> -> memref<1000000x64xf32, #tpu.memory_space<hbm>>
        tpu.enqueue_indirect_dma source(%dma_start3A_234 : memref<1000000x64xf32, #tpu.memory_space<hbm>>) target(%arg13 : memref<104x64xf32, #tpu.memory_space<vmem>>) offsets(%dma_start3A_231 : memref<104xi32, #tpu.memory_space<vmem>>) semaphore(%arg21 : memref<!tpu.dma_semaphore, #tpu.memory_space<semaphore_mem>>)
      } else {
      }
      %scan3A_226 = arith.constant 0 : i32
      scf.yield %scan3A_226 : i32
    }
    %scan3A_65 = arith.constant 32 : i32
    return
  }
}

</mosaic_0001>

<sc_bundles>
// kernel: kernel.3.cloned.1.call-start
scs
__scs_entry_jumppad:
0x0: {  	(pc) =	sbr.rel $0x88, $3  }
0x1: {  	(tag) =	ssettag $0x0;
	lr =	simm.s32 $0x1  }
0x2: {  	[smem:$0x3F9F] =	sst lr;
	_ =	strace $0xD0000000  }
0x3: {  	_ = 	snop  }
0x4: {  	_ = 	snop  }
0x5: {  	_ = 	snop  }
0x6: {  	_ = 	snop  }
0x7: {  	_ = 	snop  }
__scs_overlays_trampoline_lowered:
0x8: {  	[smem:$0x3FAE] =	sst s0  }
0x9: {  	[smem:$0x3FAF] =	sst s1  }
0xa: {  	[smem:$0x3FB0] =	sst s2  }
0xb: {  	[smem:$0x3FB1] =	sst s3  }
0xc: {  	[smem:$0x3FB2] =	sst s4  }
0xd: {  	[smem:$0x3FB3] =	sst s5  }
0xe: {  	[smem:$0x3FB4] =	sst s6  }
0xf: {  	[smem:$0x3FB5] =	sst s7  }
0x10: {  	[smem:$0x3FB6] =	sst s8  }
0x11: {  	[smem:$0x3FB7] =	sst s9;
	s0 =	simm.s32 @!p0 $0x0  }
0x12: {  	s1 =	sld [smem:$0x3F9D];
	s0 =	simm.s32 @p0 $0x1  }
0x13: {  	[smem:$0x3FB8] =	sst s0;
	s0 =	simm.s32 @!p1 $0x0  }
0x14: {  	s2 =	sld [smem:$0x3F9C];
	s0 =	simm.s32 @p1 $0x1  }
0x15: {  	[smem:$0x3FB9] =	sst s0;
	s0 =	simm.s32 @!p2 $0x0  }
0x16: {  	s3 =	sld [smem:$0x3FDB];
	s0 =	simm.s32 @p2 $0x1  }
0x17: {  	s4 =	simm.s32 $0x1BF5;
	[smem:$0x3FBB] =	sst s0  }
0x18: {  	s0 =	sld [smem:$0x3F9E];
	_ =	swait.ge [sflag:s4], $0x0  }
0x19: {  	s7 =	sld [smem:$0x3F9F]  }
0x1a: {  	s8 =	sadd.s32 $0xFFFFE003, lr  }
0x1b: {  	s9 =	sadd.s32 $0xFFFFFEF7, lr;
	s5 =	simm.s32 $0xFFFFFFFF;
	p2 =	slt.u32 s8, $0xFFFFF086  }
0x1c: {  	p1 =	slt.u32 s9, $0xF7A;
	s5 =	simm.s32 @!p2 $0x0  }
0x1d: {  	s5 =	simm.s32 @p1 $0x1;
	p0 =	seq.s32 s7, s2  }
0x1e: {  	s7 =	smul.u32 @!p0 $0xF7A, s2;
	p2 =	seq.s32 @!p0 s5, $0x0  }
0x1f: {  	s9 =	smul.u32 $0xF7A, s1;
	s8 =	simm.s32 @!p0 $0x1BF5;
	p2 =	por !p2, p0  }
0x20: {  	[sflag:s8] =	ssyncset.s32 @!p0 $0xFFFFF086;
	s6 =	sadd.s32 @!p0 s3, s7;
	s7 =	simm.s32 @!p0 $0x108  }
0x21: {  	s3 =	sadd.s32 s3, s9;
	s6 =	sadd.s32 @!p0 $0x88, s6;
	s7 =	simm.s32 @p2 $0x1082  }
0x22: {  	[simem:s7], [sflag:s8] =	dma.local @!p0 [hbm:s6], $0xF7A  }
0x23: {  	s9 =	sor.u32 $0xD0000000, s2;
	s6 =	simm.s32 $0x108;
	_ =	swait.ge @!p0 [sflag:s8], $0x0  }
0x24: {  	s3 =	sadd.s32 $0x88, s3;
	s6 =	simm.s32 @!p1 $0x1082;
	[sflag:s4] =	ssyncset.s32 $0xFFFFF086  }
0x25: {  	[simem:s6], [sflag:s4] =	dma.local [hbm:s3], $0xF7A  }
0x26: {  	[smem:$0x3F9F] =	sst s1;
	(tag) =	ssettag s2;
	_ =	strace s9  }
0x27: {  	s1 =	sld [smem:$0x3FAF]  }
0x28: {  	s2 =	sld [smem:$0x3FB0]  }
0x29: {  	s4 =	sld [smem:$0x3FB2]  }
0x2a: {  	p0 =	seq.s32 s5, $0x0;
	s5 =	sld [smem:$0x3FB3]  }
0x2b: {  	s6 =	sld [smem:$0x3FB4]  }
0x2c: {  	s7 =	sld [smem:$0x3FB5]  }
0x2d: {  	s3 =	simm.s32 $0x108;
	s8 =	sld [smem:$0x3FB6]  }
0x2e: {  	s3 =	simm.s32 @!p0 $0x1082;
	s9 =	sld [smem:$0x3FB7]  }
0x2f: {  	lr =	sadd.s32 s0, s3;
	s0 =	sld [smem:$0x3FAE]  }
0x30: {  	s3 =	sld [smem:$0x3FB1]  }
0x31: {  	[smem:$0x3FBA] =	sst s10  }
0x32: {  	s10 =	sld [smem:$0x3FB8];
	_ =	sdelay $0x3  }
0x33: {  	p0 =	seq.s32 s10, $0x1;
	s10 =	sld [smem:$0x3FBA];
	_ =	sdelay $0x3  }
0x34: {  	[smem:$0x3FBA] =	sst s10  }
0x35: {  	s10 =	sld [smem:$0x3FB9];
	_ =	sdelay $0x3  }
0x36: {  	p1 =	seq.s32 s10, $0x1;
	s10 =	sld [smem:$0x3FBA];
	_ =	sdelay $0x3  }
0x37: {  	[smem:$0x3FBA] =	sst s10  }
0x38: {  	s10 =	sld [smem:$0x3FBB]  }
0x39: {  	_ = 	snop;
	(pc) =	sbr.ind lr, $3  }
0x3a: {  	_ = 	snop  }
0x3b: {  	_ = 	snop  }
0x3c: {  	p2 =	seq.s32 s10, $0x1;
	s10 =	sld [smem:$0x3FBA]  }
0x3d: {  	_ =	shalt  }
0x3e: {  	_ =	shalt  }
0x3f: {  	_ =	shalt  }
0x40: {  	_ =	shalt  }
0x41: {  	_ =	shalt  }
0x42: {  	_ =	shalt  }
0x43: {  	_ =	shalt  }
0x44: {  	_ =	shalt  }
0x45: {  	_ =	shalt  }
0x46: {  	_ =	shalt  }
0x47: {  	_ =	shalt  }
0x48: {  	_ =	shalt  }
0x49: {  	_ =	shalt  }
0x4a: {  	_ =	shalt  }
0x4b: {  	_ =	shalt  }
0x4c: {  	_ =	shalt  }
0x4d: {  	_ =	shalt  }
0x4e: {  	_ =	shalt  }
0x4f: {  	_ =	shalt  }
0x50: {  	_ =	shalt  }
0x51: {  	_ =	shalt  }
0x52: {  	_ =	shalt  }
0x53: {  	_ =	shalt  }
0x54: {  	_ =	shalt  }
0x55: {  	_ =	shalt  }
0x56: {  	_ =	shalt  }
0x57: {  	_ =	shalt  }
0x58: {  	_ =	shalt  }
0x59: {  	_ =	shalt  }
0x5a: {  	_ =	shalt  }
0x5b: {  	_ =	shalt  }
0x5c: {  	_ =	shalt  }
0x5d: {  	_ =	shalt  }
0x5e: {  	_ =	shalt  }
0x5f: {  	_ =	shalt  }
0x60: {  	_ =	shalt  }
0x61: {  	_ =	shalt  }
0x62: {  	_ =	shalt  }
0x63: {  	_ =	shalt  }
0x64: {  	_ =	shalt  }
0x65: {  	_ =	shalt  }
0x66: {  	_ =	shalt  }
0x67: {  	_ =	shalt  }
0x68: {  	_ =	shalt  }
0x69: {  	_ =	shalt  }
0x6a: {  	_ =	shalt  }
0x6b: {  	_ =	shalt  }
0x6c: {  	_ =	shalt  }
0x6d: {  	_ =	shalt  }
0x6e: {  	_ =	shalt  }
0x6f: {  	_ =	shalt  }
0x70: {  	_ =	shalt  }
0x71: {  	_ =	shalt  }
0x72: {  	_ =	shalt  }
0x73: {  	_ =	shalt  }
0x74: {  	_ =	shalt  }
0x75: {  	_ =	shalt  }
0x76: {  	_ =	shalt  }
0x77: {  	_ =	shalt  }
0x78: {  	_ =	shalt  }
0x79: {  	_ =	shalt  }
0x7a: {  	_ =	shalt  }
0x7b: {  	_ =	shalt  }
0x7c: {  	_ =	shalt  }
0x7d: {  	_ =	shalt  }
0x7e: {  	_ =	shalt  }
0x7f: {  	_ =	shalt  }
0x80: {  	_ =	shalt  }
0x81: {  	_ =	shalt  }
0x82: {  	_ =	shalt  }
0x83: {  	_ =	shalt  }
0x84: {  	_ =	shalt  }
0x85: {  	_ =	shalt  }
0x86: {  	_ =	shalt  }
0x87: {  	_ =	shalt  }
.Lfunc_end0:
.L_simem_size_0:
called_computation.1_lowered:
.L_overlay_start_0:
0x88: {  	s2 =	sld [smem:$0x3FD9]  }
0x89: {  	s3 =	sld [smem:$0x3FFE];
	_ =	sdelay $0x1  }
0x8a: {  	s1 =	srdreg.scid  }
0x8b: {  	s0 =	sand.u32 $0x1, s1  }
0x8c: {  	s17 =	sshll.u32 s0, $0xA;
	s2 =	sadd.s32 s3, s2  }
0x8d: {  	s2 =	sadd.s32 s2, s17  }
0x8e: {  	[smem:$0x3FC6] =	sst s2  }
0x8f: {  	_ = 	snop  }
0x90: {  	s2 =	sld [smem:$0x3FD0];
	(tm) =	ssettm $0x1  }
0x91: {  	s18 =	sld [smem:$0x3FFB];
	_ =	sdelay $0x3  }
0x92: {  	_ =	strace s18  }
0x93: {  	s3 =	sld [smem:$0x3FFC];
	_ =	sdelay $0x3  }
0x94: {  	_ =	strace s3  }
0x95: {  	s3 =	sld [smem:$0x3FFD];
	_ =	sdelay $0x3  }
0x96: {  	_ =	strace s3  }
0x97: {  	_ =	strace $0x8FFFFFFF  }
0x98: {  	s19 =	sld [smem:$0x3FDB];
	_ =	sdelay $0x1  }
0x99: {  	s4 =	simm.s32 $_scs_section_size  }
0x9a: {  	s5 =	simm.s32 $_size__tile_overlayer_lowered;
	s6 =	simm.s32 $_tile_overlayer_lowered  }
0x9b: {  	s22 =	simm.s32 $0x1BFF;
	s21 =	sshll.u32 s6, $0x1;
	s3 =	sadd.s32 s4, s19  }
0x9c: {  	s7 =	simm.s32 $0x0;
	s20 =	sshll.u32 s5, $0x1;
	s5 =	sadd.s32 s21, s3  }
0x9d: {  	[timem:s7], [sflag:s22] =	dma.local [hbm:s5], s20  }
0x9e: {  	_ =	swait.ge [sflag:s22], s20  }
0x9f: {  	s4 =	ssub.s32 $0x0, s20;
	[sflag:s22] =	ssyncset.done $0x0  }
0xa0: {  	[sflag:s22] =	ssyncadd.s32 s4;
	_ =	sdelay $0x1  }
0xa1: {  	s23 =	simm.s32 $0x1B8B  }
0xa2: {  	_ =	swait.ge [sflag:s23], $0x1  }
0xa3: {  	[sflag:s23] =	ssyncset.done $0x0  }
0xa4: {  	s25 =	simm.s32 $0x1B8E;
	s24 =	sld [smem:$0x3FFE];
	[sflag:s23] =	ssyncadd.s32 $0xFFFFFFFF  }
0xa5: {  	s26 =	simm.s32 $execute0_lowered;
	[smem:$0x3FD2] =	sst s25  }
0xa6: {  	s5 =	sshll.u32 s26, $0x1;
	_ =	strace $0x80000046;
	[dreg:$0x1] =	wrdreg $0xFFFFFFFF  }
0xa7: {  	s28 =	simm.s32 $_size_execute0_lowered;
	s3 =	sadd.s32 s3, s5;
	[dreg:$0x0] =	wrdreg $0x0  }
0xa8: {  	s5 =	sshll.u32 s28, $0x1;
	[dreg:$0x2] =	wrdreg s3  }
0xa9: {  	[dreg:$0x3] =	wrdreg s5  }
0xaa: {  	[dreg:$0x4] =	wrdreg $0xC0  }
0xab: {  	_ =	task [dreg:s7], $0x5FFFF  }
0xac: {  	[dreg:$0x1] =	wrdreg $0xFFFFFFFF  }
0xad: {  	[dreg:$0x0] =	wrdreg $0x60  }
0xae: {  	[dreg:$0x2] =	wrdreg s2  }
0xaf: {  	[dreg:$0x3] =	wrdreg s24  }
0xb0: {  	[dreg:$0x4] =	wrdreg $0x9  }
0xb1: {  	_ =	task.clear_ibuf [dreg:s7], $0x5FFFF;
	_ =	strace $0x90000046  }
0xb2: {  	s29 =	simm.s32 $0x9;
	_ =	strace $0x80000048  }
0xb3: {  	_ =	swait.ge [sflag:s29], $0x1  }
0xb4: {  	[sflag:s29] =	ssyncadd.s32 $0xFFFFFFFF  }
0xb5: {  	_ =	strace $0x90000048  }
0xb6: {  	_ =	sfence  }
0xb7: {  	s30 =	sld [smem:$0x0];
	_ =	sdelay $0x2  }
0xb8: {  	s31 =	sshll.u32 s1, $0xD;
	s1 =	sshrl.u32 s1, $0x2  }
0xb9: {  	s3 =	sand.u32 $0x4000, s31;
	s1 =	sadd.s32 s1, s30  }
0xba: {  	s0 =	sor.u32 s3, s0;
	s1 =	sshll.u32 s1, $0x11  }
0xbb: {  	s0 =	sor.u32 s1, s0  }
0xbc: {  	s0 =	sadd.s32 $0x8F2B, s0  }
0xbd: {  	[sflag:s0] =	ssyncadd.remote.s32 $0x1  }
0xbe: {  	_ =	sfence.sel $0xFFFF  }
0xbf: {  	[dreg:$0x0] =	wrdreg $0xFFFFFFFF;
	(pc) =	sbr.abs _section_cstart, $3  }
0xc0: {  	[dreg:$0x1] =	wrdreg $0xFFFFFFFF  }
0xc1: {  	_ =	task.clear_ibuf [dreg:s7], $0x2FFFF;
	_ =	strace $0x9FFFFFFF  }
0xc2: {  	(tm) =	ssettm $0x7FFFFFFF  }
0xc3: {  	_ =	shalt  }
tec
execute0_lowered:
.L_overlay_start_1:
0x0: {  	(tag) =	ssettag $0x1  }
0x1: {  	s0 =	rddreg [dreg:$0x0]  }
0x2: {  	s1 =	rddreg [dreg:$0x1];
	s2 =	simm.s32 $0x0;
	s16 =	srdreg.scid  }
0x3: {  	s9 =	stileid.u32;
	s13 =	simm.s32 $0x9;
	s14 =	simm.s32 $0x68  }
0x4: {  	s29 =	simm.s32 $0x11E00;
	s30 =	simm.s32 $0x1;
	s31 =	simm.s32 $0x40  }
0x5: {  	s15 =	simm.s32 $0xF700;
	[smem:$0x7FF] =	sst s2;
	s4 =	smul.u32 $0x700000, s9  }
0x6: {  	s2 =	sand.u32 $0x1, s16;
	s3 =	sshll.u32 s9, $0x1;
	s20 =	smul.u32 $0xE0000, s9  }
0x7: {  	s16 =	simm.s32 $0x7;
	_ =	strace $0x80000047;
	s5 =	sor.u32 s2, s3  }
0x8: {  	s6 =	smul.u32 $0x380000, s2;
	s3 =	sadd.s32 $0xF43000, s1;
	s7 =	ssub.s32 $0x2, s2  }
0x9: {  	s1 =	sadd.s32 $0xC00, s1;
	s5 =	smul.u32 $0xD00, s5;
	s8 =	sshrl.u32 s7, $0x1  }
0xa: {  	s21 =	smul.u32 $0x70000, s2;
	s4 =	sadd.s32 s6, s4;
	s17 =	ssub.s32 s7, s8  }
0xb: {  	s0 =	sadd.s32 s0, s5;
	s18 =	sor.u32 $0x1A400, s4;
	s19 =	smax.u32 s17, $0x1  }
0xc: {  	s22 =	sor.u32 $0x16C00, s4;
	s5 =	sadd.s32 s20, s1;
	s23 =	sor.u32 $0x13400, s4  }
0xd: {  	s25 =	sor.u32 $0xC400, s4;
	s26 =	sor.u32 $0x8C00, s4;
	s4 =	sor.u32 $0x5400, s4  }
0xe: {  	s17 =	simm.s32 $0x2;
	s20 =	simm.s32 $0x8;
	[dreg:$0x3] =	wrdreg s0  }
0xf: {  	[dreg:$0x4] =	wrdreg s19;
	s0 =	sshrl.u32 s18, $0x3;
	s2 =	sshrl.u32 s22, $0x3  }
0x10: {  	s7 =	sadd.s32 s21, s5;
	s24 =	sshrl.u32 s23, $0x3;
	s28 =	sshrl.u32 s4, $0x3  }
0x11: {  	s21 =	simm.s32 $0x3;
	s4 =	simm.s32 $0xDD00;
	s5 =	simm.s32 $0x6  }
.Ltmp0:
0x12: {  	s18 =	simm.s32 $0x11100;
	s22 =	simm.s32 $0x12B00;
	(pc) =	sbr.rel .LBB2_1-.Ltmp0, $4  }
0x13: {  	s19 =	simm.s32 $0x0;
	s6 =	sadd.s32 s0, s1;
	s8 =	sadd.s32 s2, s1  }
0x14: {  	s9 =	sadd.s32 s24, s1;
	s0 =	sshrl.u32 s25, $0x3;
	s2 =	sshrl.u32 s26, $0x3  }
0x15: {  	s12 =	sadd.s32 s28, s1;
	s25 =	simm.s32 $0x4;
	s10 =	sadd.s32 s0, s1  }
0x16: {  	s11 =	sadd.s32 s2, s1;
	s0 =	simm.s32 $0x80;
	s2 =	simm.s32 $0x5  }
.LBB2_4:
0x17: {  	s19 =	rddreg [dreg:$0x5]  }
0x18: {  	s1 =	rddreg [dreg:$0x4];
	s19 =	sadd.s32 $0x1, s19  }
0x19: {  	p0 =	sne.s32 s19, s1  }
.Ltmp1:
0x1a: {  	_ = 	snop;
	(pc) =	sbr.rel @!p0 .LBB2_5-.Ltmp1, $1  }
0x1b: {  	_ =	sdelay $0x3  }
.LBB2_1:
0x1c: {  	[dreg:$0x5] =	wrdreg s19  }
0x1d: {  	s1 =	simm.s32 $0x0;
	s28 =	rddreg [dreg:$0x3]  }
0x1e: {  	[tilespmem:s1], [sflag:$0x9] =	stream.linear.gather [hbm4b:s28+s1], $0x6800, $0x38;
	[tilespmem:$0x13800] =	vst v63  }
0x1f: {  	_ =	swait.ge [sflag:s13], $0x6800  }
0x20: {  	[sflag:s13] =	ssyncset.done $0x0  }
0x21: {  	s23 =	simm.s32 $0x6800;
	[sflag:s13] =	ssyncadd.s32 $0xFFFF9800  }
0x22: {  	[tilespmem:s23], [sflag:$0x1] =	stream.indirect.gather [hbm4b:s3+s14], $0x40, s1, s14, $0xb8;
	[tilespmem:$0x13800] =	vst v63  }
0x23: {  	s24 =	simm.s32 $0x8200  }
0x24: {  	[tilespmem:s24], [sflag:$0x2] =	stream.indirect.gather [hbm4b:s3+s14], $0x40, s14, s14, $0xb8;
	[tilespmem:$0x13800] =	vst v63  }
0x25: {  	s26 =	simm.s32 $0xD0;
	s28 =	simm.s32 $0x9C00  }
0x26: {  	[tilespmem:s28], [sflag:$0x3] =	stream.indirect.gather [hbm4b:s3+s14], $0x40, s26, s14, $0xb8;
	[tilespmem:$0x13800] =	vst v63  }
0x27: {  	s23 =	simm.s32 $0x138;
	s24 =	simm.s32 $0xB600  }
0x28: {  	[tilespmem:s24], [sflag:$0x4] =	stream.indirect.gather [hbm4b:s3+s14], $0x40, s23, s14, $0xb8;
	[tilespmem:$0x13800] =	vst v63  }
0x29: {  	s26 =	simm.s32 $0x1A0;
	s28 =	simm.s32 $0xD000  }
0x2a: {  	[tilespmem:s28], [sflag:$0x5] =	stream.indirect.gather [hbm4b:s3+s14], $0x40, s26, s14, $0xb8;
	[tilespmem:$0x13800] =	vst v63  }
0x2b: {  	s19 =	simm.s32 $0x208;
	s23 =	simm.s32 $0xEA00  }
0x2c: {  	[tilespmem:s23], [sflag:$0x6] =	stream.indirect.gather [hbm4b:s3+s14], $0x40, s19, s14, $0xb8;
	[tilespmem:$0x13800] =	vst v63  }
0x2d: {  	s24 =	simm.s32 $0x270;
	s26 =	simm.s32 $0x10400  }
0x2e: {  	[tilespmem:s26], [sflag:$0x7] =	stream.indirect.gather [hbm4b:s3+s14], $0x40, s24, s14, $0xb8;
	[tilespmem:$0x13800] =	vst v63  }
0x2f: {  	s1 =	simm.s32 $0x0;
	s28 =	simm.s32 $0x2D8;
	s24 =	simm.s32 $0x618  }
0x30: {  	[tilespmem:s29], [sflag:$0x8] =	stream.indirect.gather [hbm4b:s3+s14], $0x40, s28, s14, $0xb8;
	[tilespmem:$0x13800] =	vst v63  }
.LBB2_2:
0x31: {  	_ =	swait.ge [sflag:s30], $0x1A00  }
0x32: {  	[sflag:s30] =	ssyncset.done $0x0  }
0x33: {  	s26 =	sadd.s32 s1, s7;
	s19 =	simm.s32 $0x6800;
	[sflag:s30] =	ssyncadd.s32 $0xFFFFE600  }
0x34: {  	[hbm4b:s26+s31] =	stream.strided.scatter [tilespmem:s19], [sflag:$0x9], $0xC80, s0, s31, $0x38;
	[tilespmem:$0x13800] =	vst v63  }
0x35: {  	_ =	swait.ge [sflag:s13], $0xC80  }
0x36: {  	[sflag:s13] =	ssyncset.done $0x0  }
0x37: {  	s23 =	simm.s32 $0x7500;
	s28 =	sadd.s32 $0x380, s26;
	[sflag:s13] =	ssyncadd.s32 $0xFFFFF380  }
0x38: {  	[hbm4b:s28+s31] =	stream.strided.scatter [tilespmem:s23], [sflag:$0x9], $0xC80, s0, s31, $0x38;
	[tilespmem:$0x13800] =	vst v63  }
0x39: {  	p0 =	seq.s32 s1, $0x6C800;
	_ =	swait.ge [sflag:s13], $0xC80  }
0x3a: {  	s19 =	simm.s32 @!p0 $0x68;
	[sflag:s13] =	ssyncset.done $0x0  }
0x3b: {  	s23 =	sadd.s32 @!p0 $0xFFFFFD28, s24;
	s28 =	simm.s32 @!p0 $0x6800;
	[sflag:s13] =	ssyncadd.s32 $0xFFFFF380  }
0x3c: {  	[tilespmem:s28], [sflag:$0x1] =	stream.indirect.gather @!p0 [hbm4b:s3+s19], $0x40, s23, s19, $0xb8;
	[tilespmem:$0x13800] =	vst v63  }
0x3d: {  	_ =	swait.ge [sflag:s17], $0x1A00  }
0x3e: {  	[sflag:s17] =	ssyncset.done $0x0  }
0x3f: {  	s23 =	sadd.s32 $0x700, s26;
	s28 =	simm.s32 $0x8200;
	[sflag:s17] =	ssyncadd.s32 $0xFFFFE600  }
0x40: {  	[hbm4b:s23+s31] =	stream.strided.scatter [tilespmem:s28], [sflag:$0x9], $0xC80, s0, s31, $0x38;
	[tilespmem:$0x13800] =	vst v63  }
0x41: {  	_ =	swait.ge [sflag:s13], $0xC80  }
0x42: {  	[sflag:s13] =	ssyncset.done $0x0  }
0x43: {  	s23 =	sadd.s32 s1, s12;
	s28 =	simm.s32 $0x8F00;
	[sflag:s13] =	ssyncadd.s32 $0xFFFFF380  }
0x44: {  	[hbm4b:s23+s31] =	stream.strided.scatter [tilespmem:s28], [sflag:$0x9], $0xC80, s0, s31, $0x38;
	[tilespmem:$0x13800] =	vst v63  }
0x45: {  	_ =	swait.ge [sflag:s13], $0xC80  }
0x46: {  	[sflag:s13] =	ssyncset.done $0x0  }
0x47: {  	s23 =	sadd.s32 @!p0 $0xFFFFFD90, s24;
	s28 =	simm.s32 @!p0 $0x8200;
	[sflag:s13] =	ssyncadd.s32 $0xFFFFF380  }
0x48: {  	[tilespmem:s28], [sflag:$0x2] =	stream.indirect.gather @!p0 [hbm4b:s3+s19], $0x40, s23, s19, $0xb8;
	[tilespmem:$0x13800] =	vst v63  }
0x49: {  	_ =	swait.ge [sflag:s21], $0x1A00  }
0x4a: {  	[sflag:s21] =	ssyncset.done $0x0  }
0x4b: {  	s23 =	sadd.s32 $0xE00, s26;
	s28 =	simm.s32 $0x9C00;
	[sflag:s21] =	ssyncadd.s32 $0xFFFFE600  }
0x4c: {  	[hbm4b:s23+s31] =	stream.strided.scatter [tilespmem:s28], [sflag:$0x9], $0xC80, s0, s31, $0x38;
	[tilespmem:$0x13800] =	vst v63  }
0x4d: {  	_ =	swait.ge [sflag:s13], $0xC80  }
0x4e: {  	[sflag:s13] =	ssyncset.done $0x0  }
0x4f: {  	s23 =	sadd.s32 s1, s11;
	s28 =	simm.s32 $0xA900;
	[sflag:s13] =	ssyncadd.s32 $0xFFFFF380  }
0x50: {  	[hbm4b:s23+s31] =	stream.strided.scatter [tilespmem:s28], [sflag:$0x9], $0xC80, s0, s31, $0x38;
	[tilespmem:$0x13800] =	vst v63  }
0x51: {  	_ =	swait.ge [sflag:s13], $0xC80  }
0x52: {  	[sflag:s13] =	ssyncset.done $0x0  }
0x53: {  	s23 =	sadd.s32 @!p0 $0xFFFFFDF8, s24;
	s28 =	simm.s32 @!p0 $0x9C00;
	[sflag:s13] =	ssyncadd.s32 $0xFFFFF380  }
0x54: {  	[tilespmem:s28], [sflag:$0x3] =	stream.indirect.gather @!p0 [hbm4b:s3+s19], $0x40, s23, s19, $0xb8;
	[tilespmem:$0x13800] =	vst v63  }
0x55: {  	_ =	swait.ge [sflag:s25], $0x1A00  }
0x56: {  	[sflag:s25] =	ssyncset.done $0x0  }
0x57: {  	s23 =	sadd.s32 $0x1500, s26;
	s28 =	simm.s32 $0xB600;
	[sflag:s25] =	ssyncadd.s32 $0xFFFFE600  }
0x58: {  	[hbm4b:s23+s31] =	stream.strided.scatter [tilespmem:s28], [sflag:$0x9], $0xC80, s0, s31, $0x38;
	[tilespmem:$0x13800] =	vst v63  }
0x59: {  	_ =	swait.ge [sflag:s13], $0xC80  }
0x5a: {  	[sflag:s13] =	ssyncset.done $0x0  }
0x5b: {  	s23 =	sadd.s32 s1, s10;
	s28 =	simm.s32 $0xC300;
	[sflag:s13] =	ssyncadd.s32 $0xFFFFF380  }
0x5c: {  	[hbm4b:s23+s31] =	stream.strided.scatter [tilespmem:s28], [sflag:$0x9], $0xC80, s0, s31, $0x38;
	[tilespmem:$0x13800] =	vst v63  }
0x5d: {  	_ =	swait.ge [sflag:s13], $0xC80  }
0x5e: {  	[sflag:s13] =	ssyncset.done $0x0  }
0x5f: {  	s23 =	sadd.s32 @!p0 $0xFFFFFE60, s24;
	s28 =	simm.s32 @!p0 $0xB600;
	[sflag:s13] =	ssyncadd.s32 $0xFFFFF380  }
0x60: {  	[tilespmem:s28], [sflag:$0x4] =	stream.indirect.gather @!p0 [hbm4b:s3+s19], $0x40, s23, s19, $0xb8;
	[tilespmem:$0x13800] =	vst v63  }
0x61: {  	_ =	swait.ge [sflag:s2], $0x1A00  }
0x62: {  	[sflag:s2] =	ssyncset.done $0x0  }
0x63: {  	s23 =	sadd.s32 $0x1C00, s26;
	s28 =	simm.s32 $0xD000;
	[sflag:s2] =	ssyncadd.s32 $0xFFFFE600  }
0x64: {  	[hbm4b:s23+s31] =	stream.strided.scatter [tilespmem:s28], [sflag:$0x9], $0xC80, s0, s31, $0x38;
	[tilespmem:$0x13800] =	vst v63  }
0x65: {  	_ =	swait.ge [sflag:s13], $0xC80  }
0x66: {  	[sflag:s13] =	ssyncset.done $0x0  }
0x67: {  	s28 =	sadd.s32 $0x1F80, s26;
	[sflag:s13] =	ssyncadd.s32 $0xFFFFF380  }
0x68: {  	[hbm4b:s28+s31] =	stream.strided.scatter [tilespmem:s4], [sflag:$0x9], $0xC80, s0, s31, $0x38;
	[tilespmem:$0x13800] =	vst v63  }
0x69: {  	_ =	swait.ge [sflag:s13], $0xC80  }
0x6a: {  	[sflag:s13] =	ssyncset.done $0x0  }
0x6b: {  	s23 =	sadd.s32 @!p0 $0xFFFFFEC8, s24;
	s28 =	simm.s32 @!p0 $0xD000;
	[sflag:s13] =	ssyncadd.s32 $0xFFFFF380  }
0x6c: {  	[tilespmem:s28], [sflag:$0x5] =	stream.indirect.gather @!p0 [hbm4b:s3+s19], $0x40, s23, s19, $0xb8;
	[tilespmem:$0x13800] =	vst v63  }
0x6d: {  	_ =	swait.ge [sflag:s5], $0x1A00  }
0x6e: {  	[sflag:s5] =	ssyncset.done $0x0  }
0x6f: {  	s23 =	sadd.s32 $0x2300, s26;
	s28 =	simm.s32 $0xEA00;
	[sflag:s5] =	ssyncadd.s32 $0xFFFFE600  }
0x70: {  	[hbm4b:s23+s31] =	stream.strided.scatter [tilespmem:s28], [sflag:$0x9], $0xC80, s0, s31, $0x38;
	[tilespmem:$0x13800] =	vst v63  }
0x71: {  	_ =	swait.ge [sflag:s13], $0xC80  }
0x72: {  	[sflag:s13] =	ssyncset.done $0x0  }
0x73: {  	s28 =	sadd.s32 s1, s9;
	[sflag:s13] =	ssyncadd.s32 $0xFFFFF380  }
0x74: {  	[hbm4b:s28+s31] =	stream.strided.scatter [tilespmem:s15], [sflag:$0x9], $0xC80, s0, s31, $0x38;
	[tilespmem:$0x13800] =	vst v63  }
0x75: {  	_ =	swait.ge [sflag:s13], $0xC80  }
0x76: {  	[sflag:s13] =	ssyncset.done $0x0  }
0x77: {  	s23 =	sadd.s32 @!p0 $0xFFFFFF30, s24;
	s28 =	simm.s32 @!p0 $0xEA00;
	[sflag:s13] =	ssyncadd.s32 $0xFFFFF380  }
0x78: {  	[tilespmem:s28], [sflag:$0x6] =	stream.indirect.gather @!p0 [hbm4b:s3+s19], $0x40, s23, s19, $0xb8;
	[tilespmem:$0x13800] =	vst v63  }
0x79: {  	_ =	swait.ge [sflag:s16], $0x1A00  }
0x7a: {  	[sflag:s16] =	ssyncset.done $0x0  }
0x7b: {  	s23 =	sadd.s32 $0x2A00, s26;
	s28 =	simm.s32 $0x10400;
	[sflag:s16] =	ssyncadd.s32 $0xFFFFE600  }
0x7c: {  	[hbm4b:s23+s31] =	stream.strided.scatter [tilespmem:s28], [sflag:$0x9], $0xC80, s0, s31, $0x38;
	[tilespmem:$0x13800] =	vst v63  }
0x7d: {  	_ =	swait.ge [sflag:s13], $0xC80  }
0x7e: {  	[sflag:s13] =	ssyncset.done $0x0  }
0x7f: {  	s28 =	sadd.s32 s1, s8;
	[sflag:s13] =	ssyncadd.s32 $0xFFFFF380  }
0x80: {  	[hbm4b:s28+s31] =	stream.strided.scatter [tilespmem:s18], [sflag:$0x9], $0xC80, s0, s31, $0x38;
	[tilespmem:$0x13800] =	vst v63  }
0x81: {  	_ =	swait.ge [sflag:s13], $0xC80  }
0x82: {  	[sflag:s13] =	ssyncset.done $0x0  }
0x83: {  	s23 =	sadd.s32 @!p0 $0xFFFFFF98, s24;
	s28 =	simm.s32 @!p0 $0x10400;
	[sflag:s13] =	ssyncadd.s32 $0xFFFFF380  }
0x84: {  	[tilespmem:s28], [sflag:$0x7] =	stream.indirect.gather @!p0 [hbm4b:s3+s19], $0x40, s23, s19, $0xb8;
	[tilespmem:$0x13800] =	vst v63  }
0x85: {  	_ =	swait.ge [sflag:s20], $0x1A00  }
0x86: {  	[sflag:s20] =	ssyncset.done $0x0  }
0x87: {  	s26 =	sadd.s32 $0x3100, s26;
	[sflag:s20] =	ssyncadd.s32 $0xFFFFE600  }
0x88: {  	[hbm4b:s26+s31] =	stream.strided.scatter [tilespmem:s29], [sflag:$0x9], $0xC80, s0, s31, $0x38;
	[tilespmem:$0x13800] =	vst v63  }
0x89: {  	_ =	swait.ge [sflag:s13], $0xC80  }
0x8a: {  	[sflag:s13] =	ssyncset.done $0x0  }
.Ltmp2:
0x8b: {  	s28 =	sadd.s32 s1, s6;
	[sflag:s13] =	ssyncadd.s32 $0xFFFFF380;
	(pc) =	sbr.rel @p0 .LBB2_4-.Ltmp2, $4  }
0x8c: {  	[hbm4b:s28+s31] =	stream.strided.scatter [tilespmem:s22], [sflag:$0x9], $0xC80, s0, s31, $0x38;
	[tilespmem:$0x13800] =	vst v63  }
0x8d: {  	_ =	swait.ge [sflag:s13], $0xC80  }
0x8e: {  	[sflag:s13] =	ssyncset.done $0x0  }
0x8f: {  	[sflag:s13] =	ssyncadd.s32 $0xFFFFF380  }
.Ltmp3:
0x90: {  	(pc) =	sbr.rel .LBB2_2-.Ltmp3, $3  }
0x91: {  	_ =	sdelay $0x1  }
0x92: {  	[tilespmem:s29], [sflag:$0x8] =	stream.indirect.gather [hbm4b:s3+s14], $0x40, s24, s14, $0xb8;
	[tilespmem:$0x13800] =	vst v63  }
0x93: {  	s24 =	sadd.s32 $0x340, s24;
	s1 =	sadd.s32 $0x3800, s1  }
.LBB2_5:
0x94: {  	_ =	sfence.sel $0x180000  }
0x95: {  	[bflag:$0x0] =	sbarrier.arrive $0xFFFF  }
0x96: {  	_ =	strace $0x90000047  }
0x97: {  	s0 =	stileid.u32;
	[bflag:$0x2] =	sbarrier.arrive $0xFFFF  }
0x98: {  	p0 =	sne.s32 s0, $0x0;
	s0 =	rddreg [dreg:$0x2]  }
0x99: {  	s0 =	sadd.s32 @!p0 $0x100000, s0  }
0x9a: {  	[sflag:s0] =	ssyncadd.tile.s32 @!p0 $0x1;
	_ =	shalt  }
.Lfunc_end2:
_tile_overlayer_lowered:
.L_overlay_start_2:
0x9b: {  	(tag) =	ssettag $0x2  }
0x9c: {  	s0 =	rddreg [dreg:$0x0];
	s2 =	stileid.u32  }
0x9d: {  	s1 =	rddreg [dreg:$0x1];
	p0 =	sne.s32 s2, $0x0  }
0x9e: {  	s3 =	rddreg [dreg:$0x2];
	[bflag:$0x3] =	sbarrier.arrive $0xFFFF;
	s2 =	simm.s32 @!p0 $0x1C09  }
0x9f: {  	[timem:s3], [sflag:s2] =	dma.local @!p0 [hbm:s0], s1  }
0xa0: {  	s0 =	simm.s32 @!p0 $0x9  }
0xa1: {  	_ =	swait.ge @!p0 [sflag:s0], s1  }
0xa2: {  	s1 =	ssub.s32 @!p0 $0x0, s1;
	[sflag:s0] =	ssyncset.done @!p0 $0x0  }
0xa3: {  	[sflag:s0] =	ssyncadd.s32 @!p0 s1  }
0xa4: {  	[bflag:$0x3] =	sbarrier.arrive $0xFFFF  }
0xa5: {  	_ =	shalt  }

// kernel: sparse-core-data-format-call.cloned.1.call-start
scs
called_computation_lowered:
.L_overlay_start_0:
0x0: {  	s2 =	sld [smem:$0x3FD9]  }
0x1: {  	s3 =	sld [smem:$0x3FFE];
	_ =	sdelay $0x1  }
0x2: {  	s1 =	srdreg.scid  }
0x3: {  	s0 =	sand.u32 $0x1, s1  }
0x4: {  	s18 =	sshll.u32 s0, $0xA;
	s2 =	sadd.s32 s3, s2  }
0x5: {  	s2 =	sadd.s32 s2, s18  }
0x6: {  	[smem:$0x3FC6] =	sst s2  }
0x7: {  	_ = 	snop  }
0x8: {  	s2 =	sld [smem:$0x3FD0];
	(tm) =	ssettm $0x1  }
0x9: {  	s19 =	sld [smem:$0x3FFB];
	_ =	sdelay $0x3  }
0xa: {  	_ =	strace s19  }
0xb: {  	s3 =	sld [smem:$0x3FFC];
	_ =	sdelay $0x3  }
0xc: {  	_ =	strace s3  }
0xd: {  	s3 =	sld [smem:$0x3FFD];
	_ =	sdelay $0x3  }
0xe: {  	_ =	strace s3  }
0xf: {  	_ =	strace $0x8FFFFFFF  }
0x10: {  	s20 =	sld [smem:$0x3FDB];
	_ =	sdelay $0x1  }
0x11: {  	s4 =	simm.s32 $_scs_section_size  }
0x12: {  	s5 =	simm.s32 $_size__tile_overlayer_lowered;
	s6 =	simm.s32 $_tile_overlayer_lowered  }
0x13: {  	s23 =	simm.s32 $0x1BFF;
	s22 =	sshll.u32 s6, $0x1;
	s3 =	sadd.s32 s4, s20  }
0x14: {  	s7 =	simm.s32 $0x0;
	s21 =	sshll.u32 s5, $0x1;
	s5 =	sadd.s32 s22, s3  }
0x15: {  	[timem:s7], [sflag:s23] =	dma.local [hbm:s5], s21  }
0x16: {  	_ =	swait.ge [sflag:s23], s21  }
0x17: {  	s4 =	ssub.s32 $0x0, s21;
	[sflag:s23] =	ssyncset.done $0x0  }
0x18: {  	[sflag:s23] =	ssyncadd.s32 s4;
	_ =	sdelay $0x1  }
0x19: {  	s24 =	simm.s32 $0x1B8B  }
0x1a: {  	_ =	swait.ge [sflag:s24], $0x1  }
0x1b: {  	[sflag:s24] =	ssyncset.done $0x0  }
0x1c: {  	s26 =	simm.s32 $0x1B8E;
	s25 =	sld [smem:$0x3FFE];
	[sflag:s24] =	ssyncadd.s32 $0xFFFFFFFF  }
0x1d: {  	s27 =	simm.s32 $execute0_lowered;
	[smem:$0x3FD2] =	sst s26  }
0x1e: {  	s5 =	sshll.u32 s27, $0x1;
	_ =	strace $0x80000049;
	[dreg:$0x1] =	wrdreg $0xFFFFFFFF  }
0x1f: {  	s28 =	simm.s32 $_size_execute0_lowered;
	s3 =	sadd.s32 s3, s5;
	[dreg:$0x0] =	wrdreg $0x0  }
0x20: {  	s5 =	sshll.u32 s28, $0x1;
	[dreg:$0x2] =	wrdreg s3  }
0x21: {  	[dreg:$0x3] =	wrdreg s5  }
0x22: {  	[dreg:$0x4] =	wrdreg $0xC0  }
0x23: {  	_ =	task [dreg:s7], $0x5FFFF  }
0x24: {  	[dreg:$0x1] =	wrdreg $0xFFFFFFFF  }
0x25: {  	[dreg:$0x0] =	wrdreg $0x60  }
0x26: {  	[dreg:$0x2] =	wrdreg s25  }
0x27: {  	[dreg:$0x3] =	wrdreg s2  }
0x28: {  	[dreg:$0x4] =	wrdreg $0x9  }
0x29: {  	_ =	task.clear_ibuf [dreg:s7], $0x5FFFF;
	_ =	strace $0x90000049  }
0x2a: {  	s29 =	simm.s32 $0x9;
	_ =	strace $0x8000004B  }
0x2b: {  	_ =	swait.ge [sflag:s29], $0x1  }
0x2c: {  	[sflag:s29] =	ssyncadd.s32 $0xFFFFFFFF  }
0x2d: {  	_ =	strace $0x9000004B  }
0x2e: {  	_ =	sfence  }
0x2f: {  	s30 =	sld [smem:$0x0];
	_ =	sdelay $0x2  }
0x30: {  	s31 =	sshll.u32 s1, $0xD;
	s1 =	sshrl.u32 s1, $0x2  }
0x31: {  	s3 =	sand.u32 $0x4000, s31;
	s1 =	sadd.s32 s1, s30  }
0x32: {  	s0 =	sor.u32 s3, s0;
	s1 =	sshll.u32 s1, $0x11  }
0x33: {  	s0 =	sor.u32 s1, s0  }
0x34: {  	s0 =	sadd.s32 $0x8F2B, s0  }
0x35: {  	[sflag:s0] =	ssyncadd.remote.s32 $0x1  }
0x36: {  	_ =	sfence.sel $0xFFFF  }
0x37: {  	[dreg:$0x0] =	wrdreg $0xFFFFFFFF;
	(pc) =	sbr.abs _section_cstart, $3  }
0x38: {  	[dreg:$0x1] =	wrdreg $0xFFFFFFFF  }
0x39: {  	_ =	task.clear_ibuf [dreg:s7], $0x2FFFF;
	_ =	strace $0x9FFFFFFF  }
0x3a: {  	(tm) =	ssettm $0x7FFFFFFF  }
0x3b: {  	_ =	shalt  }
tec
execute0_lowered:
.L_overlay_start_1:
0x0: {  	(tag) =	ssettag $0x1  }
0x1: {  	s0 =	srdreg.scid  }
0x2: {  	s1 =	sshll.u32 s0, $0x4  }
0x3: {  	s0 =	stileid.u32;
	s1 =	sand.u32 $0x10, s1  }
0x4: {  	s1 =	sor.u32 s0, s1  }
0x5: {  	s6 =	rddreg [dreg:$0x0];
	s4 =	simm.s32 $0x1;
	s2 =	sshll.u32 s1, $0x7  }
0x6: {  	s7 =	simm.s32 $0x2;
	s12 =	simm.s32 $0x0;
	s1 =	ssub.s32 $0x4000, s2  }
0x7: {  	s8 =	simm.s32 $0x20000;
	s13 =	simm.s32 $0x0;
	s3 =	sand.u32 $0xF80, s1  }
0x8: {  	s9 =	simm.s32 $0x0;
	s5 =	sshrl.u32 s1, $0xC;
	p0 =	sne.s32 s3, $0x0  }
.Ltmp0:
0x9: {  	s1 =	rddreg [dreg:$0x2];
	s4 =	simm.s32 @!p0 $0x0;
	(pc) =	sbr.rel .LBB1_1-.Ltmp0, $4  }
0xa: {  	s11 =	simm.s32 $0x0;
	s3 =	rddreg [dreg:$0x1];
	s5 =	sadd.s32 s4, s5  }
0xb: {  	_ =	strace $0x8000004A;
	s4 =	simm.s32 $0x1;
	s5 =	smul.u32 $0x32, s5  }
0xc: {  	s6 =	sadd.s32 $0xC00, s6;
	s10 =	smov.u32 s2;
	[sflag:s4] =	ssyncpa.u1 $0x0  }
0xd: {  	p0 =	por $0x0, $0x0;
	[sflag:s7] =	ssyncpa.u1 $0x0;
	s7 =	sor.u32 $0x1, s5  }
.LBB1_4:
0xe: {  	s16 =	sshll.u32 s13, $0x3;
	s17 =	sand.u32 $0x78, s13  }
0xf: {  	s30 =	sand.u32 $0x1F800, s13;
	s12 =	sshll.u32 s12, $0x11;
	s16 =	sand.u32 $0x3C00, s16  }
0x10: {  	[tilespmem:s15+$0x810 ss:$0x81] =	vst.msk $0xffff, v2;
	s31 =	sand.u32 $0x7, s13;
	s16 =	sor.u32 s17, s16;
	s17 =	sadd.s32 s3, s30  }
0x11: {  	[tilespmem:s15+$0x1020 ss:$0x81] =	vst.msk $0xffff, v0;
	s13 =	sshll.u32 s31, $0x12;
	s12 =	sadd.s32 s12, s17;
	s16 =	sshrl.u32 s16, $0x3  }
0x12: {  	[tilespmem:s15+$0x0 ss:$0x81] =	vst.msk $0xffff, v1;
	s13 =	sor.u32 $0x400, s13;
	s12 =	sadd.s32 s16, s12  }
0x13: {  	[hbm4b:s12+s13] =	stream.strided.scatter [tilespmem:s14], [sflag:$0x2], $0x2000, s8, s13, $0x20;
	[tilespmem:$0x8080] =	vst v63  }
.LBB1_5:
0x14: {  	s14 =	sadd.s32 $0x1, s9  }
0x15: {  	s12 =	sadd.s32 $0x1000, s10;
	s16 =	smov.u32 s10;
	p2 =	sgt.s32 s14, $0x31  }
0x16: {  	s16 =	smov.u32 @p2 s12  }
0x17: {  	s14 =	simm.s32 @p2 $0x0;
	p2 =	sgt.s32 s16, $0x3FFF  }
0x18: {  	s16 =	smov.u32 @p2 s2;
	p2 =	sne.s32 s11, s7  }
.Ltmp1:
0x19: {  	p1 =	slt.u32 s11, $0x2;
	(pc) =	sbr.rel @!p2 .LBB1_6-.Ltmp1, $4  }
0x1a: {  	s15 =	simm.s32 @!p1 $0x2  }
0x1b: {  	s13 =	smov.u32 s10;
	p0 =	por !p0, !p0;
	_ =	swait.ge @!p1 [sflag:s15], $0x2000  }
0x1c: {  	s12 =	smov.u32 s9;
	[sflag:s15] =	ssyncset.done @!p1 $0x0;
	s9 =	smov.u32 s14  }
0x1d: {  	s11 =	sadd.s32 $0x1, s11;
	[sflag:s15] =	ssyncadd.s32 @!p1 $0xFFFFE000;
	s10 =	smov.u32 s16  }
.LBB1_1:
0x1e: {  	p1 =	sge.u32 s11, s5  }
0x1f: {  	s14 =	sand.u32 @!p1 $0x1FFFFFF, s9  }
0x20: {  	s15 =	smulhi.u32 @!p1 $0x4924925, s14;
	_ =	sdelay $0x1  }
0x21: {  	s15 =	smul.u32 @!p1 $0x38, s15  }
0x22: {  	s16 =	sxor.u32 @!p1 $0xFFFFFFFF, s11;
	s17 =	smul.u32 @!p1 $0x380, s10  }
0x23: {  	s31 =	sadd.s32 $0xFFFFFFFF, s11;
	s16 =	sshll.u32 @!p1 s16, $0xD;
	s14 =	ssub.s32 @!p1 s14, s15  }
0x24: {  	s15 =	sand.u32 @!p1 $0x2000, s16;
	s16 =	sadd.s32 @!p1 s6, s17;
	s14 =	sshll.u32 @!p1 s14, $0x4  }
0x25: {  	s17 =	simm.s32 @!p1 $0x1C00;
	s14 =	sadd.s32 @!p1 s14, s16;
	s16 =	simm.s32 @!p1 $0x40  }
0x26: {  	[tilespmem:s15], [sflag:$0x1] =	stream.strided.gather @!p1 [hbm4b:s14+s16], $0x2000, s17, s16, $0x38;
	[tilespmem:$0x8080] =	vst v63  }
0x27: {  	p1 =	sge.u32 s31, s5  }
.Ltmp2:
0x28: {  	_ = 	snop;
	(pc) =	sbr.rel @p1 .LBB1_5-.Ltmp2, $1  }
0x29: {  	_ =	sdelay $0x3  }
0x2a: {  	s14 =	simm.s32 $0x1  }
0x2b: {  	_ =	swait.ge [sflag:s4], $0x2000;
	s14 =	simm.s32 @!p0 $0x0  }
0x2c: {  	[sflag:s4] =	ssyncset.done $0x0;
	s15 =	sshll.u32 s14, $0xD  }
0x2d: {  	[sflag:s4] =	ssyncadd.s32 $0xFFFFE000;
	s18 =	sor.u32 $0x20, s15  }
0x2e: {  	s14 =	smul.u32 $0x8100, s14;
	v3 =	vld [tilespmem:s18+$0x10]  }
0x2f: {  	s30 =	sand.u32 $0x1, s11;
	v2 =	vld [tilespmem:s18+$0xFFFFFFF0]  }
0x30: {  	s15 =	smul.u32 $0x8100, s30;
	s14 =	sshrl.u32 s14, $0x2;
	v0 =	vld [tilespmem:s18+$0x0]  }
0x31: {  	v1 =	vld [tilespmem:s18+$0xFFFFFFE0];
	s16 =	sor.u32 $0x4000, s14  }
0x32: {  	s31 =	sshrl.u32 s15, $0x2;
	s15 =	sadd.s32 $0x0, s16  }
0x33: {  	s17 =	simm.s32 $0x4;
	s18 =	sadd.s32 $0x40, s18;
	s14 =	sor.u32 $0x4000, s31;
	[tilespmem:s15+$0x1830 ss:$0x81] =	vst.msk $0xffff, v3  }
.LBB1_3:
0x34: {  	v3 =	vld [tilespmem:s18+$0x10];
	p1 =	sne.s32 s17, $0x1FC;
	[tilespmem:s15+$0x810 ss:$0x81] =	vst.msk $0xffff, v2;
	s19 =	smov.u32 s17;
	s17 =	sadd.s32 $0x4, s17  }
.Ltmp3:
0x35: {  	v2 =	vld [tilespmem:s18+$0xFFFFFFF0];
	[tilespmem:s15+$0x1020 ss:$0x81] =	vst.msk $0xffff, v0;
	(pc) =	sbr.rel @p1 .LBB1_3-.Ltmp3, $4  }
0x36: {  	v0 =	vld [tilespmem:s18+$0x0];
	[tilespmem:s15+$0x0 ss:$0x81] =	vst.msk $0xffff, v1  }
0x37: {  	s15 =	sshra.s32 s19, $0x2;
	v1 =	vld [tilespmem:s18+$0xFFFFFFE0]  }
0x38: {  	s15 =	sadd.s32 s15, s16  }
0x39: {  	s18 =	sadd.s32 $0x40, s18;
	[tilespmem:s15+$0x1830 ss:$0x81] =	vst.msk $0xffff, v3  }
.Ltmp4:
0x3a: {  	_ = 	snop;
	(pc) =	sbr.rel .LBB1_4-.Ltmp4, $1  }
0x3b: {  	_ =	sdelay $0x3  }
.LBB1_6:
0x3c: {  	_ =	sfence.sel $0x180000  }
0x3d: {  	s2 =	simm.s32 $0x1;
	[bflag:$0x0] =	sbarrier.arrive $0xFFFF  }
0x3e: {  	s31 =	simm.s32 $0x2;
	[sflag:s2] =	ssyncpa.u1 $0x1  }
0x3f: {  	[sflag:s31] =	ssyncpa.u1 $0x1  }
0x40: {  	p0 =	sne.s32 s0, $0x0;
	_ =	strace $0x9000004A  }
0x41: {  	s0 =	sadd.s32 @!p0 $0x100000, s1;
	[bflag:$0x2] =	sbarrier.arrive $0xFFFF  }
0x42: {  	[sflag:s0] =	ssyncadd.tile.s32 @!p0 $0x1;
	_ =	shalt  }
.Lfunc_end1:
_tile_overlayer_lowered:
.L_overlay_start_2:
0x43: {  	(tag) =	ssettag $0x2  }
0x44: {  	s0 =	rddreg [dreg:$0x0];
	s2 =	stileid.u32  }
0x45: {  	s1 =	rddreg [dreg:$0x1];
	p0 =	sne.s32 s2, $0x0  }
0x46: {  	s3 =	rddreg [dreg:$0x2];
	[bflag:$0x3] =	sbarrier.arrive $0xFFFF;
	s2 =	simm.s32 @!p0 $0x1C01  }
0x47: {  	[timem:s3], [sflag:s2] =	dma.local @!p0 [hbm:s0], s1  }
0x48: {  	s0 =	simm.s32 @!p0 $0x1  }
0x49: {  	_ =	swait.ge @!p0 [sflag:s0], s1  }
0x4a: {  	s1 =	ssub.s32 @!p0 $0x0, s1;
	[sflag:s0] =	ssyncset.done @!p0 $0x0  }
0x4b: {  	[sflag:s0] =	ssyncadd.s32 @!p0 s1  }
0x4c: {  	[bflag:$0x3] =	sbarrier.arrive $0xFFFF  }
0x4d: {  	_ =	shalt  }

</sc_bundles>
